<compile_context>
chip_gen: v7x
topology: tpu7x:2x2x1
jax: 0.10.2.dev20260603
libtpu: 0.0.44.dev20260713+nightly
codegen_flags: <defaults>
</compile_context>

<pallas_src>
import functools

import jax
import jax.numpy as jnp
from jax import lax
from jax.experimental import pallas as pl
from jax.experimental.pallas import tpu as pltpu
from jax.experimental.pallas import tpu_sc as plsc

N = 10000
E = 160000
D_IN = 500
H1 = 128
CD = 6
M = 13
NC = 7

MP = 16
WP = 128
N_PAD = 10112
NCORES = 2
NSUB = 16
NW = NCORES * NSUB
CHUNK = 80
EPW = 5120
ZROWS = N_PAD // NSUB


def _tc_project(h, w1, b1, wm_cat, w):
    blk = 1000
    eblk = E // (N // blk)

    def body(h_ref, w1_ref, b1_ref, wm_ref, w_ref, p_ref, wt_ref):
        z = jnp.dot(h_ref[...], w1_ref[...], preferred_element_type=jnp.float32)
        z = z + b1_ref[...]
        p_ref[...] = jnp.dot(z, wm_ref[...], preferred_element_type=jnp.float32)
        wt_ref[...] = jnp.pad(w_ref[...], ((0, MP - M), (0, 0))).T

    return pl.pallas_call(
        body,
        grid=(N // blk,),
        in_specs=[
            pl.BlockSpec((blk, D_IN), lambda i: (i, 0)),
            pl.BlockSpec((D_IN, H1), lambda i: (0, 0)),
            pl.BlockSpec((1, H1), lambda i: (0, 0)),
            pl.BlockSpec((H1, WP), lambda i: (0, 0)),
            pl.BlockSpec((M, eblk), lambda i: (0, i)),
        ],
        out_specs=[
            pl.BlockSpec((blk, WP), lambda i: (i, 0)),
            pl.BlockSpec((eblk, MP), lambda i: (i, 0)),
        ],
        out_shape=[
            jax.ShapeDtypeStruct((N, WP), jnp.float32),
            jax.ShapeDtypeStruct((E, MP), jnp.float32),
        ],
    )(h, w1, b1, wm_cat, w)


def _sc_scatter(p, src, dst, w, zeros):
    mesh = plsc.VectorSubcoreMesh(core_axis_name="c", subcore_axis_name="s")

    @functools.partial(
        pl.kernel,
        out_type=jax.ShapeDtypeStruct((NCORES * N_PAD, WP), jnp.float32),
        mesh=mesh,
        scratch_types=[
            pltpu.VMEM_SHARED((N_PAD, WP), jnp.float32),
            pltpu.VMEM((CHUNK,), jnp.int32),
            pltpu.VMEM((CHUNK,), jnp.int32),
            pltpu.VMEM((CHUNK,), jnp.int32),
            pltpu.VMEM((CHUNK,), jnp.int32),
            pltpu.VMEM((CHUNK,), jnp.int32),
            pltpu.VMEM((CHUNK,), jnp.int32),
            pltpu.VMEM((CHUNK, MP), jnp.float32),
            pltpu.VMEM((CHUNK, MP), jnp.float32),
            pltpu.VMEM((CHUNK, WP), jnp.float32),
            pltpu.VMEM((CHUNK, WP), jnp.float32),
            pltpu.SemaphoreType.DMA,
            pltpu.SemaphoreType.DMA,
            pltpu.SemaphoreType.DMA,
            pltpu.SemaphoreType.DMA,
            pltpu.SemaphoreType.DMA,
            pltpu.SemaphoreType.DMA,
            pltpu.SemaphoreType.DMA,
            pltpu.SemaphoreType.DMA,
        ],
    )
    def k(p_hbm, src_hbm, dst_hbm, wt_hbm, zero_hbm, out_hbm,
          acc_sh, srcv0, srcv1, dstv0, dstv1, dsc0, dsc1, wv0, wv1,
          rows0, rows1,
          sle0, sle1, slw0, slw1, sg0, sg1, ss0, ss1):
        srcv = (srcv0, srcv1)
        dstv = (dstv0, dstv1)
        dsc = (dsc0, dsc1)
        wv = (wv0, wv1)
        rows = (rows0, rows1)
        sle = (sle0, sle1)
        slw = (slw0, slw1)
        sg = (sg0, sg1)
        ss = (ss0, ss1)

        cid = lax.axis_index("c")
        sid = lax.axis_index("s")
        wid = sid * NCORES + cid
        base0 = wid * EPW
        nreal = jnp.minimum(E - base0, EPW) // CHUNK
        npairs = nreal // 2

        pltpu.sync_copy(zero_hbm, acc_sh.at[pl.ds(sid * ZROWS, ZROWS)])
        plsc.subcore_barrier()

        def loads(j, b):
            bs = base0 + j * CHUNK
            return (pltpu.make_async_copy(src_hbm.at[pl.ds(bs, CHUNK)],
                                          srcv[b], sle[b]),
                    pltpu.make_async_copy(dst_hbm.at[pl.ds(bs, CHUNK)],
                                          dstv[b], sle[b]),
                    pltpu.make_async_copy(wt_hbm.at[pl.ds(bs, CHUNK), :],
                                          wv[b], slw[b]))

        def gather(b):
            return pltpu.make_async_copy(p_hbm.at[pl.ds(0, CHUNK)], rows[b], sg[b])

        def scatter_start(b):
            pass

        def scatter_wait(b):
            pass

        def compute(b):
            for k0 in range(0, CHUNK, 16):
                dsc[b][pl.ds(k0, 16)] = dstv[b][pl.ds(k0, 16)]

            def ebody(e, c2):
                wall = wv[b][e, :]
                for v in range(CD):
                    sl = pl.ds(v * MP, MP)
                    rows[b][e, sl] = rows[b][e, sl] * wall
                return c2

            lax.fori_loop(0, 1, ebody, 0, unroll=4)

        for c in loads(0, 0):
            c.start()
        for c in loads(0, 0):
            c.wait()
        gather(0).start()
        for c in loads(1, 1):
            c.start()

        def pair_body(t, carry):
            j0 = 2 * t

            gather(0).wait()
            @pl.when(t > 0)
            def _():
                scatter_wait(1)
            for c in loads(j0 + 1, 1):
                c.wait()
            gather(1).start()
            compute(0)
            scatter_start(0)
            @pl.when(t + 1 < npairs)
            def _():
                for c in loads(j0 + 2, 0):
                    c.start()

            gather(1).wait()
            scatter_wait(0)
            @pl.when(t + 1 < npairs)
            def _():
                for c in loads(j0 + 2, 0):
                    c.wait()
                gather(0).start()
            compute(1)
            scatter_start(1)
            @pl.when(t + 1 < npairs)
            def _():
                for c in loads(j0 + 3, 1):
                    c.start()
            return carry

        lax.fori_loop(0, npairs, pair_body, 0)
        scatter_wait(1)

        plsc.subcore_barrier()
        off = cid * N_PAD + sid * ZROWS
        pltpu.sync_copy(acc_sh.at[pl.ds(sid * ZROWS, ZROWS)],
                        out_hbm.at[pl.ds(off, ZROWS)])

    return k(p, src, dst, w, zeros)


def _tc_finish(partials, attv, sum6, expd, wd_perm, bd):
    blk = 632

    def body(a_ref, b_ref, attv_ref, s6_ref, ex_ref, wd_ref, bd_ref, o_ref):
        acc = a_ref[...] + b_ref[...]
        t = acc * attv_ref[...]
        s = jnp.dot(t, s6_ref[...], preferred_element_type=jnp.float32)
        a = jax.nn.sigmoid(s)
        ae = jnp.dot(a, ex_ref[...], preferred_element_type=jnp.float32)
        hc = jnp.maximum(acc * ae, 0.0)
        o_ref[...] = jnp.dot(hc, wd_ref[...],
                             preferred_element_type=jnp.float32) + bd_ref[...]

    return pl.pallas_call(
        body,
        grid=(N_PAD // blk,),
        in_specs=[
            pl.BlockSpec((blk, WP), lambda i: (i, 0)),
            pl.BlockSpec((blk, WP), lambda i: (i + N_PAD // blk, 0)),
            pl.BlockSpec((1, WP), lambda i: (0, 0)),
            pl.BlockSpec((WP, MP), lambda i: (0, 0)),
            pl.BlockSpec((MP, WP), lambda i: (0, 0)),
            pl.BlockSpec((WP, NC), lambda i: (0, 0)),
            pl.BlockSpec((1, NC), lambda i: (0, 0)),
        ],
        out_specs=pl.BlockSpec((blk, NC), lambda i: (i, 0)),
        out_shape=jax.ShapeDtypeStruct((N_PAD, NC), jnp.float32),
    )(partials, partials, attv, sum6, expd, wd_perm, bd)


def kernel(h, edge_index, motif_edge_weights, W1, b1, Wm, att, Wd, bd):
    wm_cat = jnp.pad(Wm, ((0, MP - M), (0, 0), (0, 0))).transpose(1, 2, 0)
    wm_cat = jnp.pad(wm_cat.reshape(H1, CD * MP), ((0, 0), (0, WP - CD * MP)))
    attv = jnp.pad(att, ((0, MP - M), (0, 0))).T.reshape(1, CD * MP)
    attv = jnp.pad(attv, ((0, 0), (0, WP - CD * MP)))
    eye = jnp.eye(MP, dtype=jnp.float32)
    sum6 = jnp.pad(jnp.tile(eye, (CD, 1)), ((0, WP - CD * MP), (0, 0)))
    expd = jnp.pad(jnp.tile(eye, (1, CD)), ((0, 0), (0, WP - CD * MP)))
    wd_perm = jnp.pad(Wd.reshape(M, CD, NC),
                      ((0, MP - M), (0, 0), (0, 0))).transpose(1, 0, 2)
    wd_perm = jnp.pad(wd_perm.reshape(CD * MP, NC), ((0, WP - CD * MP), (0, 0)))
    zeros = jnp.zeros((ZROWS, WP), jnp.float32)
    b1r = b1.reshape(1, H1)
    bdr = bd.reshape(1, NC)

    p, w_t = _tc_project(h, W1, b1r, wm_cat, motif_edge_weights)
    partials = _sc_scatter(p, edge_index[0], edge_index[1], w_t, zeros)
    out = _tc_finish(partials, attv, sum6, expd, wd_perm, bdr)
    return out[:N]

# --- scband reference (transcript-rebuilt; emitter-appended) ---
"""Pipeline reference for scband-net-19335942766759 (READ-ONLY COPY).

The authoritative reference and input builder live on the scoring server;
editing this copy changes nothing except your own understanding.
"""

import jax, jax.numpy as jnp
import numpy as np

N = 10000
E = 160000
D_IN = 500
H1 = 128
CD = 6
M = 13
NC = 7


def setup_inputs(seed: int = 0) -> dict:
    key = jax.random.key(seed)
    ks = jax.random.split(key, 10)
    h = jax.random.normal(ks[0], (N, D_IN), dtype=jnp.float32)
    edge_index = jax.random.randint(ks[1], (2, E), 0, N, dtype=jnp.int32)
    motif_edge_weights = jax.random.uniform(ks[2], (M, E), dtype=jnp.float32)
    # parameters (MotifConv: shared hidden projection, per-motif compress weights + attention vectors)
    W1 = jax.random.normal(ks[3], (D_IN, H1), dtype=jnp.float32) * (1.0 / np.sqrt(D_IN))
    b1 = jnp.zeros((H1,), dtype=jnp.float32)
    Wm = jax.random.normal(ks[4], (M, H1, CD), dtype=jnp.float32) * (1.0 / np.sqrt(H1))
    att = jax.random.normal(ks[5], (M, CD), dtype=jnp.float32)
    Wd = jax.random.normal(ks[6], (M * CD, NC), dtype=jnp.float32) * (1.0 / np.sqrt(M * CD))
    bd = jnp.zeros((NC,), dtype=jnp.float32)
    return {"h": h, "edge_index": edge_index, "motif_edge_weights": motif_edge_weights,
            "W1": W1, "b1": b1, "Wm": Wm, "att": att, "Wd": Wd, "bd": bd}


def reference(h, edge_index, motif_edge_weights, W1, b1, Wm, att, Wd, bd):
    # eval mode: dropouts (layer_dropout, motif_dropout, att_dropout) are no-ops
    src = edge_index[0]
    dst = edge_index[1]
    z = h @ W1 + b1  # [N, H1] shared hidden projection (hidden_dim1=128)
    msg = jnp.take(z, src, axis=0)  # [E, H1] gather source features per edge

    def per_motif(w_e, Wm_m, att_m):
        weighted = msg * w_e[:, None]  # motif-normalized adjacency weights
        agg = jax.ops.segment_sum(weighted, dst, num_segments=N)  # aggr='sum' scatter-add
        c = agg @ Wm_m  # compress to compress_dims[0]=6
        a = jax.nn.sigmoid(jnp.sum(c * att_m, axis=-1, keepdims=True))  # att_act=sigmoid
        return c * a

    outs = jax.vmap(per_motif, in_axes=(0, 0, 0))(motif_edge_weights, Wm, att)  # [M, N, CD]
    hcat = jnp.transpose(outs, (1, 0, 2)).reshape(N, M * CD)  # concat 13 motif channels -> 78
    hcat = jax.nn.relu(hcat)
    logits = hcat @ Wd + bd  # dense Linear(78, num_classes)
    return logits

if __name__ == "__main__":
    import jax
    _d = setup_inputs()
    print(jax.jit(kernel)(*tuple(_d.values())))

</pallas_src>

<mosaic_0001>
#map = affine_map<(d0, d1) -> (0, 0)>
#map1 = affine_map<(d0, d1) -> (0)>
module attributes {stable_mosaic.version = 14 : i64} {
  func.func @k(%arg0: i32, %arg1: i32, %arg2: memref<10000x128xf32, #tpu.memory_space<hbm>>, %arg3: memref<160000xi32, #tpu.memory_space<hbm>>, %arg4: memref<160000xi32, #tpu.memory_space<hbm>>, %arg5: memref<160000x16xf32, #tpu.memory_space<hbm>>, %arg6: memref<632x128xf32, #tpu.memory_space<hbm>>, %arg7: memref<20224x128xf32, #tpu.memory_space<hbm>>, %arg8: memref<10112x128xf32, #tpu.memory_space<vmem_shared>>, %arg9: memref<80xi32, #tpu.memory_space<vmem>>, %arg10: memref<80xi32, #tpu.memory_space<vmem>>, %arg11: memref<80xi32, #tpu.memory_space<vmem>>, %arg12: memref<80xi32, #tpu.memory_space<vmem>>, %arg13: memref<80xi32, #tpu.memory_space<vmem>>, %arg14: memref<80xi32, #tpu.memory_space<vmem>>, %arg15: memref<80x16xf32, #tpu.memory_space<vmem>>, %arg16: memref<80x16xf32, #tpu.memory_space<vmem>>, %arg17: memref<80x128xf32, #tpu.memory_space<vmem>>, %arg18: memref<80x128xf32, #tpu.memory_space<vmem>>, %arg19: memref<!tpu.dma_semaphore, #tpu.memory_space<semaphore_mem>>, %arg20: memref<!tpu.dma_semaphore, #tpu.memory_space<semaphore_mem>>, %arg21: memref<!tpu.dma_semaphore, #tpu.memory_space<semaphore_mem>>, %arg22: memref<!tpu.dma_semaphore, #tpu.memory_space<semaphore_mem>>, %arg23: memref<!tpu.dma_semaphore, #tpu.memory_space<semaphore_mem>>, %arg24: memref<!tpu.dma_semaphore, #tpu.memory_space<semaphore_mem>>, %arg25: memref<!tpu.dma_semaphore, #tpu.memory_space<semaphore_mem>>, %arg26: memref<!tpu.dma_semaphore, #tpu.memory_space<semaphore_mem>>) attributes {dimension_semantics = [#tpu.dimension_semantics<core_parallel>, #tpu.dimension_semantics<subcore_parallel>], iteration_bounds = array<i64: 2, 16>, scalar_prefetch = 0 : i64, scratch_operands = 19 : i64, tpu.core_type = #tpu.core_type<sc_vector_subcore>, window_params = [{transform_indices = #map}, {transform_indices = #map1}, {transform_indices = #map1}, {transform_indices = #map}, {transform_indices = #map}, {transform_indices = #map}]} {
    %mul3A = arith.constant 2 : i32
    %mul3A_0 = arith.muli %arg1, %mul3A : i32
    %add3A = arith.addi %mul3A_0, %arg0 : i32
    %mul3A_1 = arith.constant 5120 : i32
    %mul3A_2 = arith.muli %add3A, %mul3A_1 : i32
    %sub3A = arith.constant 160000 : i32
    %sub3A_3 = arith.subi %sub3A, %mul3A_2 : i32
    %min3A = arith.constant 5120 : i32
    %min3A_4 = arith.minsi %sub3A_3, %min3A : i32
    %jit3A = arith.constant 80 : i32
    %div3A = arith.divsi %min3A_4, %jit3A : i32
    %sign3A = arith.constant 0 : i32
    %sign3A_5 = arith.cmpi sgt, %min3A_4, %sign3A : i32
    %sign3A_6 = arith.extui %sign3A_5 : i1 to i32
    %sign3A_7 = arith.constant 0 : i32
    %sign3A_8 = arith.cmpi slt, %min3A_4, %sign3A_7 : i32
    %sign3A_9 = arith.extui %sign3A_8 : i1 to i32
    %sign3A_10 = arith.subi %sign3A_6, %sign3A_9 : i32
    %sign3A_11 = arith.constant 0 : i32
    %sign3A_12 = arith.cmpi sgt, %jit3A, %sign3A_11 : i32
    %sign3A_13 = arith.extui %sign3A_12 : i1 to i32
    %sign3A_14 = arith.constant 0 : i32
    %sign3A_15 = arith.cmpi slt, %jit3A, %sign3A_14 : i32
    %sign3A_16 = arith.extui %sign3A_15 : i1 to i32
    %sign3A_17 = arith.subi %sign3A_13, %sign3A_16 : i32
    %ne3A = arith.cmpi ne, %sign3A_10, %sign3A_17 : i32
    %rem3A = arith.remsi %min3A_4, %jit3A : i32
    %ne3A_18 = arith.constant 0 : i32
    %ne3A_19 = arith.cmpi ne, %rem3A, %ne3A_18 : i32
    %and3A = arith.andi %ne3A, %ne3A_19 : i1
    %sub3A_20 = arith.constant 1 : i32
    %sub3A_21 = arith.subi %div3A, %sub3A_20 : i32
    %select_n3A = arith.select %and3A, %sub3A_21, %div3A : i32
    %jit3A_22 = arith.constant 2 : i32
    %div3A_23 = arith.divsi %select_n3A, %jit3A_22 : i32
    %sign3A_24 = arith.constant 0 : i32
    %sign3A_25 = arith.cmpi sgt, %select_n3A, %sign3A_24 : i32
    %sign3A_26 = arith.extui %sign3A_25 : i1 to i32
    %sign3A_27 = arith.constant 0 : i32
    %sign3A_28 = arith.cmpi slt, %select_n3A, %sign3A_27 : i32
    %sign3A_29 = arith.extui %sign3A_28 : i1 to i32
    %sign3A_30 = arith.subi %sign3A_26, %sign3A_29 : i32
    %sign3A_31 = arith.constant 0 : i32
    %sign3A_32 = arith.cmpi sgt, %jit3A_22, %sign3A_31 : i32
    %sign3A_33 = arith.extui %sign3A_32 : i1 to i32
    %sign3A_34 = arith.constant 0 : i32
    %sign3A_35 = arith.cmpi slt, %jit3A_22, %sign3A_34 : i32
    %sign3A_36 = arith.extui %sign3A_35 : i1 to i32
    %sign3A_37 = arith.subi %sign3A_33, %sign3A_36 : i32
    %ne3A_38 = arith.cmpi ne, %sign3A_30, %sign3A_37 : i32
    %rem3A_39 = arith.remsi %select_n3A, %jit3A_22 : i32
    %ne3A_40 = arith.constant 0 : i32
    %ne3A_41 = arith.cmpi ne, %rem3A_39, %ne3A_40 : i32
    %and3A_42 = arith.andi %ne3A_38, %ne3A_41 : i1
    %sub3A_43 = arith.constant 1 : i32
    %sub3A_44 = arith.subi %div3A_23, %sub3A_43 : i32
    %select_n3A_45 = arith.select %and3A_42, %sub3A_44, %div3A_23 : i32
    %mul3A_46 = arith.constant 632 : i32
    %mul3A_47 = arith.muli %arg1, %mul3A_46 : i32
    "tpu.region"() ({
      %run_scoped3A = tpu.sem_alloc : memref<!tpu.dma_semaphore, #tpu.memory_space<semaphore_mem>>
      %dma_start3A_99 = arith.constant 0 : i32
      %dma_start3A_100 = tpu.memref_slice %arg8[%mul3A_47, %dma_start3A_99] : memref<10112x128xf32, #tpu.memory_space<vmem_shared>> -> memref<632x128xf32, #tpu.memory_space<vmem_shared>>
      tpu.enqueue_dma source(%arg6 : memref<632x128xf32, #tpu.memory_space<hbm>>) target(%dma_start3A_100 : memref<632x128xf32, #tpu.memory_space<vmem_shared>>) target_semaphore(%run_scoped3A : memref<!tpu.dma_semaphore, #tpu.memory_space<semaphore_mem>>)
      %dma_wait3A_101 = arith.constant 0 : i32
      %dma_wait3A_102 = tpu.memref_slice %arg8[%mul3A_47, %dma_wait3A_101] : memref<10112x128xf32, #tpu.memory_space<vmem_shared>> -> memref<632x128xf32, #tpu.memory_space<vmem_shared>>
      tpu.wait_dma2 semaphore(%run_scoped3A : memref<!tpu.dma_semaphore, #tpu.memory_space<semaphore_mem>>) src(%arg6 : memref<632x128xf32, #tpu.memory_space<hbm>>) dst(%dma_wait3A_102 : memref<632x128xf32, #tpu.memory_space<vmem_shared>>)
      tpu.yield
    }) : () -> ()
    %barrier3A = arith.constant 0 : index
    tpu.barrier barrier_id(%barrier3A)
    %add3A_48 = arith.constant 0 : i32
    %add3A_49 = arith.addi %mul3A_2, %add3A_48 : i32
    %dma_start3A = tpu.memref_slice %arg3[%add3A_49] : memref<160000xi32, #tpu.memory_space<hbm>> -> memref<80xi32, #tpu.memory_space<hbm>>
    %dma_start3A_50 = tpu.memref_slice %arg3[%add3A_49] : memref<160000xi32, #tpu.memory_space<hbm>> -> memref<80xi32, #tpu.memory_space<hbm>>
    tpu.enqueue_dma source(%dma_start3A_50 : memref<80xi32, #tpu.memory_space<hbm>>) target(%arg9 : memref<80xi32, #tpu.memory_space<vmem>>) target_semaphore(%arg19 : memref<!tpu.dma_semaphore, #tpu.memory_space<semaphore_mem>>)
    %dma_start3A_51 = tpu.memref_slice %arg4[%add3A_49] : memref<160000xi32, #tpu.memory_space<hbm>> -> memref<80xi32, #tpu.memory_space<hbm>>
    %dma_start3A_52 = tpu.memref_slice %arg4[%add3A_49] : memref<160000xi32, #tpu.memory_space<hbm>> -> memref<80xi32, #tpu.memory_space<hbm>>
    tpu.enqueue_dma source(%dma_start3A_52 : memref<80xi32, #tpu.memory_space<hbm>>) target(%arg11 : memref<80xi32, #tpu.memory_space<vmem>>) target_semaphore(%arg19 : memref<!tpu.dma_semaphore, #tpu.memory_space<semaphore_mem>>)
    %dma_start3A_53 = arith.constant 0 : i32
    %dma_start3A_54 = tpu.memref_slice %arg5[%add3A_49, %dma_start3A_53] : memref<160000x16xf32, #tpu.memory_space<hbm>> -> memref<80x16xf32, #tpu.memory_space<hbm>>
    %dma_start3A_55 = arith.constant 0 : i32
    %dma_start3A_56 = tpu.memref_slice %arg5[%add3A_49, %dma_start3A_55] : memref<160000x16xf32, #tpu.memory_space<hbm>> -> memref<80x16xf32, #tpu.memory_space<hbm>>
    tpu.enqueue_dma source(%dma_start3A_56 : memref<80x16xf32, #tpu.memory_space<hbm>>) target(%arg15 : memref<80x16xf32, #tpu.memory_space<vmem>>) target_semaphore(%arg21 : memref<!tpu.dma_semaphore, #tpu.memory_space<semaphore_mem>>)
    %add3A_57 = arith.constant 0 : i32
    %add3A_58 = arith.addi %mul3A_2, %add3A_57 : i32
    %dma_wait3A = tpu.memref_slice %arg3[%add3A_58] : memref<160000xi32, #tpu.memory_space<hbm>> -> memref<80xi32, #tpu.memory_space<hbm>>
    %dma_wait3A_59 = tpu.memref_slice %arg3[%add3A_58] : memref<160000xi32, #tpu.memory_space<hbm>> -> memref<80xi32, #tpu.memory_space<hbm>>
    tpu.wait_dma2 semaphore(%arg19 : memref<!tpu.dma_semaphore, #tpu.memory_space<semaphore_mem>>) src(%dma_wait3A_59 : memref<80xi32, #tpu.memory_space<hbm>>) dst(%arg9 : memref<80xi32, #tpu.memory_space<vmem>>)
    %dma_wait3A_60 = tpu.memref_slice %arg4[%add3A_58] : memref<160000xi32, #tpu.memory_space<hbm>> -> memref<80xi32, #tpu.memory_space<hbm>>
    %dma_wait3A_61 = tpu.memref_slice %arg4[%add3A_58] : memref<160000xi32, #tpu.memory_space<hbm>> -> memref<80xi32, #tpu.memory_space<hbm>>
    tpu.wait_dma2 semaphore(%arg19 : memref<!tpu.dma_semaphore, #tpu.memory_space<semaphore_mem>>) src(%dma_wait3A_61 : memref<80xi32, #tpu.memory_space<hbm>>) dst(%arg11 : memref<80xi32, #tpu.memory_space<vmem>>)
    %dma_wait3A_62 = arith.constant 0 : i32
    %dma_wait3A_63 = tpu.memref_slice %arg5[%add3A_58, %dma_wait3A_62] : memref<160000x16xf32, #tpu.memory_space<hbm>> -> memref<80x16xf32, #tpu.memory_space<hbm>>
    %dma_wait3A_64 = arith.constant 0 : i32
    %dma_wait3A_65 = tpu.memref_slice %arg5[%add3A_58, %dma_wait3A_64] : memref<160000x16xf32, #tpu.memory_space<hbm>> -> memref<80x16xf32, #tpu.memory_space<hbm>>
    tpu.wait_dma2 semaphore(%arg21 : memref<!tpu.dma_semaphore, #tpu.memory_space<semaphore_mem>>) src(%dma_wait3A_65 : memref<80x16xf32, #tpu.memory_space<hbm>>) dst(%arg15 : memref<80x16xf32, #tpu.memory_space<vmem>>)
    %dma_start3A_66 = arith.constant 0 : i32
    %dma_start3A_67 = arith.constant 0 : i32
    %dma_start3A_68 = tpu.memref_slice %arg2[%dma_start3A_66, %dma_start3A_67] : memref<10000x128xf32, #tpu.memory_space<hbm>> -> memref<80x128xf32, #tpu.memory_space<hbm>>
    %dma_start3A_69 = arith.constant 0 : i32
    %dma_start3A_70 = arith.constant 0 : i32
    %dma_start3A_71 = tpu.memref_slice %arg2[%dma_start3A_69, %dma_start3A_70] : memref<10000x128xf32, #tpu.memory_space<hbm>> -> memref<80x128xf32, #tpu.memory_space<hbm>>
    tpu.enqueue_dma source(%dma_start3A_71 : memref<80x128xf32, #tpu.memory_space<hbm>>) target(%arg17 : memref<80x128xf32, #tpu.memory_space<vmem>>) target_semaphore(%arg23 : memref<!tpu.dma_semaphore, #tpu.memory_space<semaphore_mem>>)
    %add3A_72 = arith.constant 80 : i32
    %add3A_73 = arith.addi %mul3A_2, %add3A_72 : i32
    %dma_start3A_74 = tpu.memref_slice %arg3[%add3A_73] : memref<160000xi32, #tpu.memory_space<hbm>> -> memref<80xi32, #tpu.memory_space<hbm>>
    %dma_start3A_75 = tpu.memref_slice %arg3[%add3A_73] : memref<160000xi32, #tpu.memory_space<hbm>> -> memref<80xi32, #tpu.memory_space<hbm>>
    tpu.enqueue_dma source(%dma_start3A_75 : memref<80xi32, #tpu.memory_space<hbm>>) target(%arg10 : memref<80xi32, #tpu.memory_space<vmem>>) target_semaphore(%arg20 : memref<!tpu.dma_semaphore, #tpu.memory_space<semaphore_mem>>)
    %dma_start3A_76 = tpu.memref_slice %arg4[%add3A_73] : memref<160000xi32, #tpu.memory_space<hbm>> -> memref<80xi32, #tpu.memory_space<hbm>>
    %dma_start3A_77 = tpu.memref_slice %arg4[%add3A_73] : memref<160000xi32, #tpu.memory_space<hbm>> -> memref<80xi32, #tpu.memory_space<hbm>>
    tpu.enqueue_dma source(%dma_start3A_77 : memref<80xi32, #tpu.memory_space<hbm>>) target(%arg12 : memref<80xi32, #tpu.memory_space<vmem>>) target_semaphore(%arg20 : memref<!tpu.dma_semaphore, #tpu.memory_space<semaphore_mem>>)
    %dma_start3A_78 = arith.constant 0 : i32
    %dma_start3A_79 = tpu.memref_slice %arg5[%add3A_73, %dma_start3A_78] : memref<160000x16xf32, #tpu.memory_space<hbm>> -> memref<80x16xf32, #tpu.memory_space<hbm>>
    %dma_start3A_80 = arith.constant 0 : i32
    %dma_start3A_81 = tpu.memref_slice %arg5[%add3A_73, %dma_start3A_80] : memref<160000x16xf32, #tpu.memory_space<hbm>> -> memref<80x16xf32, #tpu.memory_space<hbm>>
    tpu.enqueue_dma source(%dma_start3A_81 : memref<80x16xf32, #tpu.memory_space<hbm>>) target(%arg16 : memref<80x16xf32, #tpu.memory_space<vmem>>) target_semaphore(%arg22 : memref<!tpu.dma_semaphore, #tpu.memory_space<semaphore_mem>>)
    %while3A = arith.constant 0 : i32
    %while3A_82 = arith.constant 0 : i32
    %while3A_83 = arith.subi %select_n3A_45, %while3A_82 : i32
    %while3A_84 = arith.addi %while3A_82, %while3A_83 : i32
    %while3A_85 = arith.constant 1 : i32
    %while3A_86 = arith.divsi %while3A_83, %while3A_85 : i32
    %while3A_87 = arith.muli %while3A_86, %while3A_85 : i32
    %while3A_88 = arith.addi %while3A_82, %while3A_87 : i32
    %while3A_89 = arith.constant 1 : i32
    scf.for %while3A_99 = %while3A_82 to %while3A_88 step %while3A_89  : i32 {
      %mul3A_100 = arith.constant 2 : i32
      %mul3A_101 = arith.muli %mul3A_100, %while3A_99 : i32
      %dma_wait3A_102 = arith.constant 0 : i32
      %dma_wait3A_103 = arith.constant 0 : i32
      %dma_wait3A_104 = tpu.memref_slice %arg2[%dma_wait3A_102, %dma_wait3A_103] : memref<10000x128xf32, #tpu.memory_space<hbm>> -> memref<80x128xf32, #tpu.memory_space<hbm>>
      %dma_wait3A_105 = arith.constant 0 : i32
      %dma_wait3A_106 = arith.constant 0 : i32
      %dma_wait3A_107 = tpu.memref_slice %arg2[%dma_wait3A_105, %dma_wait3A_106] : memref<10000x128xf32, #tpu.memory_space<hbm>> -> memref<80x128xf32, #tpu.memory_space<hbm>>
      tpu.wait_dma2 semaphore(%arg23 : memref<!tpu.dma_semaphore, #tpu.memory_space<semaphore_mem>>) src(%dma_wait3A_107 : memref<80x128xf32, #tpu.memory_space<hbm>>) dst(%arg17 : memref<80x128xf32, #tpu.memory_space<vmem>>)
      %gt3A = arith.constant 0 : i32
      %gt3A_108 = arith.cmpi sgt, %while3A_99, %gt3A : i32
      %convert_element_type3A = arith.extui %gt3A_108 : i1 to i32
      %cond3A = arith.constant 0 : i32
      %cond3A_109 = arith.cmpi ne, %convert_element_type3A, %cond3A : i32
      scf.if %cond3A_109 {
      } else {
      }
      %add3A_110 = arith.constant 1 : i32
      %add3A_111 = arith.addi %mul3A_101, %add3A_110 : i32
      %mul3A_112 = arith.constant 80 : i32
      %mul3A_113 = arith.muli %add3A_111, %mul3A_112 : i32
      %add3A_114 = arith.addi %mul3A_2, %mul3A_113 : i32
      %dma_wait3A_115 = tpu.memref_slice %arg3[%add3A_114] : memref<160000xi32, #tpu.memory_space<hbm>> -> memref<80xi32, #tpu.memory_space<hbm>>
      %dma_wait3A_116 = tpu.memref_slice %arg3[%add3A_114] : memref<160000xi32, #tpu.memory_space<hbm>> -> memref<80xi32, #tpu.memory_space<hbm>>
      tpu.wait_dma2 semaphore(%arg20 : memref<!tpu.dma_semaphore, #tpu.memory_space<semaphore_mem>>) src(%dma_wait3A_116 : memref<80xi32, #tpu.memory_space<hbm>>) dst(%arg10 : memref<80xi32, #tpu.memory_space<vmem>>)
      %dma_wait3A_117 = tpu.memref_slice %arg4[%add3A_114] : memref<160000xi32, #tpu.memory_space<hbm>> -> memref<80xi32, #tpu.memory_space<hbm>>
      %dma_wait3A_118 = tpu.memref_slice %arg4[%add3A_114] : memref<160000xi32, #tpu.memory_space<hbm>> -> memref<80xi32, #tpu.memory_space<hbm>>
      tpu.wait_dma2 semaphore(%arg20 : memref<!tpu.dma_semaphore, #tpu.memory_space<semaphore_mem>>) src(%dma_wait3A_118 : memref<80xi32, #tpu.memory_space<hbm>>) dst(%arg12 : memref<80xi32, #tpu.memory_space<vmem>>)
      %dma_wait3A_119 = arith.constant 0 : i32
      %dma_wait3A_120 = tpu.memref_slice %arg5[%add3A_114, %dma_wait3A_119] : memref<160000x16xf32, #tpu.memory_space<hbm>> -> memref<80x16xf32, #tpu.memory_space<hbm>>
      %dma_wait3A_121 = arith.constant 0 : i32
      %dma_wait3A_122 = tpu.memref_slice %arg5[%add3A_114, %dma_wait3A_121] : memref<160000x16xf32, #tpu.memory_space<hbm>> -> memref<80x16xf32, #tpu.memory_space<hbm>>
      tpu.wait_dma2 semaphore(%arg22 : memref<!tpu.dma_semaphore, #tpu.memory_space<semaphore_mem>>) src(%dma_wait3A_122 : memref<80x16xf32, #tpu.memory_space<hbm>>) dst(%arg16 : memref<80x16xf32, #tpu.memory_space<vmem>>)
      %dma_start3A_123 = arith.constant 0 : i32
      %dma_start3A_124 = arith.constant 0 : i32
      %dma_start3A_125 = tpu.memref_slice %arg2[%dma_start3A_123, %dma_start3A_124] : memref<10000x128xf32, #tpu.memory_space<hbm>> -> memref<80x128xf32, #tpu.memory_space<hbm>>
      %dma_start3A_126 = arith.constant 0 : i32
      %dma_start3A_127 = arith.constant 0 : i32
      %dma_start3A_128 = tpu.memref_slice %arg2[%dma_start3A_126, %dma_start3A_127] : memref<10000x128xf32, #tpu.memory_space<hbm>> -> memref<80x128xf32, #tpu.memory_space<hbm>>
      tpu.enqueue_dma source(%dma_start3A_128 : memref<80x128xf32, #tpu.memory_space<hbm>>) target(%arg18 : memref<80x128xf32, #tpu.memory_space<vmem>>) target_semaphore(%arg24 : memref<!tpu.dma_semaphore, #tpu.memory_space<semaphore_mem>>)
      %get3A = arith.constant 0 : index
      %get3A_129 = tpu.vector_load %arg11[%get3A] {strides = array<i32>} : memref<80xi32, #tpu.memory_space<vmem>>, vector<16xi32>,
      %get3A_130 = vector.shape_cast %get3A_129 : vector<16xi32> to vector<16xi32>
      %swap3A = arith.constant 0 : index
      %swap3A_131 = tpu.vector_load %arg13[%swap3A] {strides = array<i32>} : memref<80xi32, #tpu.memory_space<vmem>>, vector<16xi32>,
      %swap3A_132 = vector.shape_cast %swap3A_131 : vector<16xi32> to vector<16xi32>
      %swap3A_133 = vector.shape_cast %get3A_130 : vector<16xi32> to vector<16xi32>
      tpu.vector_store %arg13[%swap3A], %swap3A_133 {strides = array<i32>} : memref<80xi32, #tpu.memory_space<vmem>>, vector<16xi32>,
      %get3A_134 = arith.constant 16 : index
      %get3A_135 = tpu.vector_load %arg11[%get3A_134] {strides = array<i32>} : memref<80xi32, #tpu.memory_space<vmem>>, vector<16xi32>,
      %get3A_136 = vector.shape_cast %get3A_135 : vector<16xi32> to vector<16xi32>
      %swap3A_137 = arith.constant 16 : index
      %swap3A_138 = tpu.vector_load %arg13[%swap3A_137] {strides = array<i32>} : memref<80xi32, #tpu.memory_space<vmem>>, vector<16xi32>,
      %swap3A_139 = vector.shape_cast %swap3A_138 : vector<16xi32> to vector<16xi32>
      %swap3A_140 = vector.shape_cast %get3A_136 : vector<16xi32> to vector<16xi32>
      tpu.vector_store %arg13[%swap3A_137], %swap3A_140 {strides = array<i32>} : memref<80xi32, #tpu.memory_space<vmem>>, vector<16xi32>,
      %get3A_141 = arith.constant 32 : index
      %get3A_142 = tpu.vector_load %arg11[%get3A_141] {strides = array<i32>} : memref<80xi32, #tpu.memory_space<vmem>>, vector<16xi32>,
      %get3A_143 = vector.shape_cast %get3A_142 : vector<16xi32> to vector<16xi32>
      %swap3A_144 = arith.constant 32 : index
      %swap3A_145 = tpu.vector_load %arg13[%swap3A_144] {strides = array<i32>} : memref<80xi32, #tpu.memory_space<vmem>>, vector<16xi32>,
      %swap3A_146 = vector.shape_cast %swap3A_145 : vector<16xi32> to vector<16xi32>
      %swap3A_147 = vector.shape_cast %get3A_143 : vector<16xi32> to vector<16xi32>
      tpu.vector_store %arg13[%swap3A_144], %swap3A_147 {strides = array<i32>} : memref<80xi32, #tpu.memory_space<vmem>>, vector<16xi32>,
      %get3A_148 = arith.constant 48 : index
      %get3A_149 = tpu.vector_load %arg11[%get3A_148] {strides = array<i32>} : memref<80xi32, #tpu.memory_space<vmem>>, vector<16xi32>,
      %get3A_150 = vector.shape_cast %get3A_149 : vector<16xi32> to vector<16xi32>
      %swap3A_151 = arith.constant 48 : index
      %swap3A_152 = tpu.vector_load %arg13[%swap3A_151] {strides = array<i32>} : memref<80xi32, #tpu.memory_space<vmem>>, vector<16xi32>,
      %swap3A_153 = vector.shape_cast %swap3A_152 : vector<16xi32> to vector<16xi32>
      %swap3A_154 = vector.shape_cast %get3A_150 : vector<16xi32> to vector<16xi32>
      tpu.vector_store %arg13[%swap3A_151], %swap3A_154 {strides = array<i32>} : memref<80xi32, #tpu.memory_space<vmem>>, vector<16xi32>,
      %get3A_155 = arith.constant 64 : index
      %get3A_156 = tpu.vector_load %arg11[%get3A_155] {strides = array<i32>} : memref<80xi32, #tpu.memory_space<vmem>>, vector<16xi32>,
      %get3A_157 = vector.shape_cast %get3A_156 : vector<16xi32> to vector<16xi32>
      %swap3A_158 = arith.constant 64 : index
      %swap3A_159 = tpu.vector_load %arg13[%swap3A_158] {strides = array<i32>} : memref<80xi32, #tpu.memory_space<vmem>>, vector<16xi32>,
      %swap3A_160 = vector.shape_cast %swap3A_159 : vector<16xi32> to vector<16xi32>
      %swap3A_161 = vector.shape_cast %get3A_157 : vector<16xi32> to vector<16xi32>
      tpu.vector_store %arg13[%swap3A_158], %swap3A_161 {strides = array<i32>} : memref<80xi32, #tpu.memory_space<vmem>>, vector<16xi32>,
      %scan3A = arith.constant 0 : i32
      %scan3A_162 = arith.constant 0 : i32
      %scan3A_163 = arith.constant 0 : i32
      %scan3A_164 = arith.addi %scan3A_162, %scan3A_163 : i32
      %scan3A_165 = arith.constant 0 : i32
      %scan3A_166 = arith.addi %scan3A_162, %scan3A_165 : i32
      %get3A_167 = arith.index_cast %scan3A_166 : i32 to index
      %get3A_168 = arith.constant 0 : index
      %get3A_169 = tpu.vector_load %arg15[%get3A_167, %get3A_168] {strides = array<i32>} : memref<80x16xf32, #tpu.memory_space<vmem>>, vector<1x16xf32>,
      %get3A_170 = vector.shape_cast %get3A_169 : vector<1x16xf32> to vector<16xf32>
      %get3A_171 = arith.index_cast %scan3A_166 : i32 to index
      %get3A_172 = arith.constant 0 : index
      %get3A_173 = tpu.vector_load %arg17[%get3A_171, %get3A_172] {strides = array<i32>} : memref<80x128xf32, #tpu.memory_space<vmem>>, vector<1x16xf32>,
      %get3A_174 = vector.shape_cast %get3A_173 : vector<1x16xf32> to vector<16xf32>
      %mul3A_175 = arith.mulf %get3A_174, %get3A_170 : vector<16xf32>
      %swap3A_176 = arith.index_cast %scan3A_166 : i32 to index
      %swap3A_177 = arith.constant 0 : index
      %swap3A_178 = tpu.vector_load %arg17[%swap3A_176, %swap3A_177] {strides = array<i32>} : memref<80x128xf32, #tpu.memory_space<vmem>>, vector<1x16xf32>,
      %swap3A_179 = vector.shape_cast %swap3A_178 : vector<1x16xf32> to vector<16xf32>
      %swap3A_180 = vector.shape_cast %mul3A_175 : vector<16xf32> to vector<1x16xf32>
      tpu.vector_store %arg17[%swap3A_176, %swap3A_177], %swap3A_180 {strides = array<i32>} : memref<80x128xf32, #tpu.memory_space<vmem>>, vector<1x16xf32>,
      %get3A_181 = arith.index_cast %scan3A_166 : i32 to index
      %get3A_182 = arith.constant 16 : index
      %get3A_183 = tpu.vector_load %arg17[%get3A_181, %get3A_182] {strides = array<i32>} : memref<80x128xf32, #tpu.memory_space<vmem>>, vector<1x16xf32>,
      %get3A_184 = vector.shape_cast %get3A_183 : vector<1x16xf32> to vector<16xf32>
      %mul3A_185 = arith.mulf %get3A_184, %get3A_170 : vector<16xf32>
      %swap3A_186 = arith.index_cast %scan3A_166 : i32 to index
      %swap3A_187 = arith.constant 16 : index
      %swap3A_188 = tpu.vector_load %arg17[%swap3A_186, %swap3A_187] {strides = array<i32>} : memref<80x128xf32, #tpu.memory_space<vmem>>, vector<1x16xf32>,
      %swap3A_189 = vector.shape_cast %swap3A_188 : vector<1x16xf32> to vector<16xf32>
      %swap3A_190 = vector.shape_cast %mul3A_185 : vector<16xf32> to vector<1x16xf32>
      tpu.vector_store %arg17[%swap3A_186, %swap3A_187], %swap3A_190 {strides = array<i32>} : memref<80x128xf32, #tpu.memory_space<vmem>>, vector<1x16xf32>,
      %get3A_191 = arith.index_cast %scan3A_166 : i32 to index
      %get3A_192 = arith.constant 32 : index
      %get3A_193 = tpu.vector_load %arg17[%get3A_191, %get3A_192] {strides = array<i32>} : memref<80x128xf32, #tpu.memory_space<vmem>>, vector<1x16xf32>,
      %get3A_194 = vector.shape_cast %get3A_193 : vector<1x16xf32> to vector<16xf32>
      %mul3A_195 = arith.mulf %get3A_194, %get3A_170 : vector<16xf32>
      %swap3A_196 = arith.index_cast %scan3A_166 : i32 to index
      %swap3A_197 = arith.constant 32 : index
      %swap3A_198 = tpu.vector_load %arg17[%swap3A_196, %swap3A_197] {strides = array<i32>} : memref<80x128xf32, #tpu.memory_space<vmem>>, vector<1x16xf32>,
      %swap3A_199 = vector.shape_cast %swap3A_198 : vector<1x16xf32> to vector<16xf32>
      %swap3A_200 = vector.shape_cast %mul3A_195 : vector<16xf32> to vector<1x16xf32>
      tpu.vector_store %arg17[%swap3A_196, %swap3A_197], %swap3A_200 {strides = array<i32>} : memref<80x128xf32, #tpu.memory_space<vmem>>, vector<1x16xf32>,
      %get3A_201 = arith.index_cast %scan3A_166 : i32 to index
      %get3A_202 = arith.constant 48 : index
      %get3A_203 = tpu.vector_load %arg17[%get3A_201, %get3A_202] {strides = array<i32>} : memref<80x128xf32, #tpu.memory_space<vmem>>, vector<1x16xf32>,
      %get3A_204 = vector.shape_cast %get3A_203 : vector<1x16xf32> to vector<16xf32>
      %mul3A_205 = arith.mulf %get3A_204, %get3A_170 : vector<16xf32>
      %swap3A_206 = arith.index_cast %scan3A_166 : i32 to index
      %swap3A_207 = arith.constant 48 : index
      %swap3A_208 = tpu.vector_load %arg17[%swap3A_206, %swap3A_207] {strides = array<i32>} : memref<80x128xf32, #tpu.memory_space<vmem>>, vector<1x16xf32>,
      %swap3A_209 = vector.shape_cast %swap3A_208 : vector<1x16xf32> to vector<16xf32>
      %swap3A_210 = vector.shape_cast %mul3A_205 : vector<16xf32> to vector<1x16xf32>
      tpu.vector_store %arg17[%swap3A_206, %swap3A_207], %swap3A_210 {strides = array<i32>} : memref<80x128xf32, #tpu.memory_space<vmem>>, vector<1x16xf32>,
      %get3A_211 = arith.index_cast %scan3A_166 : i32 to index
      %get3A_212 = arith.constant 64 : index
      %get3A_213 = tpu.vector_load %arg17[%get3A_211, %get3A_212] {strides = array<i32>} : memref<80x128xf32, #tpu.memory_space<vmem>>, vector<1x16xf32>,
      %get3A_214 = vector.shape_cast %get3A_213 : vector<1x16xf32> to vector<16xf32>
      %mul3A_215 = arith.mulf %get3A_214, %get3A_170 : vector<16xf32>
      %swap3A_216 = arith.index_cast %scan3A_166 : i32 to index
      %swap3A_217 = arith.constant 64 : index
      %swap3A_218 = tpu.vector_load %arg17[%swap3A_216, %swap3A_217] {strides = array<i32>} : memref<80x128xf32, #tpu.memory_space<vmem>>, vector<1x16xf32>,
      %swap3A_219 = vector.shape_cast %swap3A_218 : vector<1x16xf32> to vector<16xf32>
      %swap3A_220 = vector.shape_cast %mul3A_215 : vector<16xf32> to vector<1x16xf32>
      tpu.vector_store %arg17[%swap3A_216, %swap3A_217], %swap3A_220 {strides = array<i32>} : memref<80x128xf32, #tpu.memory_space<vmem>>, vector<1x16xf32>,
      %get3A_221 = arith.index_cast %scan3A_166 : i32 to index
      %get3A_222 = arith.constant 80 : index
      %get3A_223 = tpu.vector_load %arg17[%get3A_221, %get3A_222] {strides = array<i32>} : memref<80x128xf32, #tpu.memory_space<vmem>>, vector<1x16xf32>,
      %get3A_224 = vector.shape_cast %get3A_223 : vector<1x16xf32> to vector<16xf32>
      %mul3A_225 = arith.mulf %get3A_224, %get3A_170 : vector<16xf32>
      %swap3A_226 = arith.index_cast %scan3A_166 : i32 to index
      %swap3A_227 = arith.constant 80 : index
      %swap3A_228 = tpu.vector_load %arg17[%swap3A_226, %swap3A_227] {strides = array<i32>} : memref<80x128xf32, #tpu.memory_space<vmem>>, vector<1x16xf32>,
      %swap3A_229 = vector.shape_cast %swap3A_228 : vector<1x16xf32> to vector<16xf32>
      %swap3A_230 = vector.shape_cast %mul3A_225 : vector<16xf32> to vector<1x16xf32>
      tpu.vector_store %arg17[%swap3A_226, %swap3A_227], %swap3A_230 {strides = array<i32>} : memref<80x128xf32, #tpu.memory_space<vmem>>, vector<1x16xf32>,
      %scan3A_231 = arith.constant 1 : i32
      %add3A_232 = arith.constant 1 : i32
      %add3A_233 = arith.addi %while3A_99, %add3A_232 : i32
      %lt3A = arith.cmpi slt, %add3A_233, %select_n3A_45 : i32
      %convert_element_type3A_234 = arith.extui %lt3A : i1 to i32
      %cond3A_235 = arith.constant 0 : i32
      %cond3A_236 = arith.cmpi ne, %convert_element_type3A_234, %cond3A_235 : i32
      scf.if %cond3A_236 {
        %add3A_361 = arith.constant 2 : i32
        %add3A_362 = arith.addi %mul3A_101, %add3A_361 : i32
        %mul3A_363 = arith.constant 80 : i32
        %mul3A_364 = arith.muli %add3A_362, %mul3A_363 : i32
        %add3A_365 = arith.addi %mul3A_2, %mul3A_364 : i32
        %dma_start3A_366 = tpu.memref_slice %arg3[%add3A_365] : memref<160000xi32, #tpu.memory_space<hbm>> -> memref<80xi32, #tpu.memory_space<hbm>>
        %dma_start3A_367 = tpu.memref_slice %arg3[%add3A_365] : memref<160000xi32, #tpu.memory_space<hbm>> -> memref<80xi32, #tpu.memory_space<hbm>>
        tpu.enqueue_dma source(%dma_start3A_367 : memref<80xi32, #tpu.memory_space<hbm>>) target(%arg9 : memref<80xi32, #tpu.memory_space<vmem>>) target_semaphore(%arg19 : memref<!tpu.dma_semaphore, #tpu.memory_space<semaphore_mem>>)
        %dma_start3A_368 = tpu.memref_slice %arg4[%add3A_365] : memref<160000xi32, #tpu.memory_space<hbm>> -> memref<80xi32, #tpu.memory_space<hbm>>
        %dma_start3A_369 = tpu.memref_slice %arg4[%add3A_365] : memref<160000xi32, #tpu.memory_space<hbm>> -> memref<80xi32, #tpu.memory_space<hbm>>
        tpu.enqueue_dma source(%dma_start3A_369 : memref<80xi32, #tpu.memory_space<hbm>>) target(%arg11 : memref<80xi32, #tpu.memory_space<vmem>>) target_semaphore(%arg19 : memref<!tpu.dma_semaphore, #tpu.memory_space<semaphore_mem>>)
        %dma_start3A_370 = arith.constant 0 : i32
        %dma_start3A_371 = tpu.memref_slice %arg5[%add3A_365, %dma_start3A_370] : memref<160000x16xf32, #tpu.memory_space<hbm>> -> memref<80x16xf32, #tpu.memory_space<hbm>>
        %dma_start3A_372 = arith.constant 0 : i32
        %dma_start3A_373 = tpu.memref_slice %arg5[%add3A_365, %dma_start3A_372] : memref<160000x16xf32, #tpu.memory_space<hbm>> -> memref<80x16xf32, #tpu.memory_space<hbm>>
        tpu.enqueue_dma source(%dma_start3A_373 : memref<80x16xf32, #tpu.memory_space<hbm>>) target(%arg15 : memref<80x16xf32, #tpu.memory_space<vmem>>) target_semaphore(%arg21 : memref<!tpu.dma_semaphore, #tpu.memory_space<semaphore_mem>>)
      } else {
      }
      %dma_wait3A_237 = arith.constant 0 : i32
      %dma_wait3A_238 = arith.constant 0 : i32
      %dma_wait3A_239 = tpu.memref_slice %arg2[%dma_wait3A_237, %dma_wait3A_238] : memref<10000x128xf32, #tpu.memory_space<hbm>> -> memref<80x128xf32, #tpu.memory_space<hbm>>
      %dma_wait3A_240 = arith.constant 0 : i32
      %dma_wait3A_241 = arith.constant 0 : i32
      %dma_wait3A_242 = tpu.memref_slice %arg2[%dma_wait3A_240, %dma_wait3A_241] : memref<10000x128xf32, #tpu.memory_space<hbm>> -> memref<80x128xf32, #tpu.memory_space<hbm>>
      tpu.wait_dma2 semaphore(%arg24 : memref<!tpu.dma_semaphore, #tpu.memory_space<semaphore_mem>>) src(%dma_wait3A_242 : memref<80x128xf32, #tpu.memory_space<hbm>>) dst(%arg18 : memref<80x128xf32, #tpu.memory_space<vmem>>)
      %add3A_243 = arith.constant 1 : i32
      %add3A_244 = arith.addi %while3A_99, %add3A_243 : i32
      %lt3A_245 = arith.cmpi slt, %add3A_244, %select_n3A_45 : i32
      %convert_element_type3A_246 = arith.extui %lt3A_245 : i1 to i32
      %cond3A_247 = arith.constant 0 : i32
      %cond3A_248 = arith.cmpi ne, %convert_element_type3A_246, %cond3A_247 : i32
      scf.if %cond3A_248 {
        %add3A_361 = arith.constant 2 : i32
        %add3A_362 = arith.addi %mul3A_101, %add3A_361 : i32
        %mul3A_363 = arith.constant 80 : i32
        %mul3A_364 = arith.muli %add3A_362, %mul3A_363 : i32
        %add3A_365 = arith.addi %mul3A_2, %mul3A_364 : i32
        %dma_wait3A_366 = tpu.memref_slice %arg3[%add3A_365] : memref<160000xi32, #tpu.memory_space<hbm>> -> memref<80xi32, #tpu.memory_space<hbm>>
        %dma_wait3A_367 = tpu.memref_slice %arg3[%add3A_365] : memref<160000xi32, #tpu.memory_space<hbm>> -> memref<80xi32, #tpu.memory_space<hbm>>
        tpu.wait_dma2 semaphore(%arg19 : memref<!tpu.dma_semaphore, #tpu.memory_space<semaphore_mem>>) src(%dma_wait3A_367 : memref<80xi32, #tpu.memory_space<hbm>>) dst(%arg9 : memref<80xi32, #tpu.memory_space<vmem>>)
        %dma_wait3A_368 = tpu.memref_slice %arg4[%add3A_365] : memref<160000xi32, #tpu.memory_space<hbm>> -> memref<80xi32, #tpu.memory_space<hbm>>
        %dma_wait3A_369 = tpu.memref_slice %arg4[%add3A_365] : memref<160000xi32, #tpu.memory_space<hbm>> -> memref<80xi32, #tpu.memory_space<hbm>>
        tpu.wait_dma2 semaphore(%arg19 : memref<!tpu.dma_semaphore, #tpu.memory_space<semaphore_mem>>) src(%dma_wait3A_369 : memref<80xi32, #tpu.memory_space<hbm>>) dst(%arg11 : memref<80xi32, #tpu.memory_space<vmem>>)
        %dma_wait3A_370 = arith.constant 0 : i32
        %dma_wait3A_371 = tpu.memref_slice %arg5[%add3A_365, %dma_wait3A_370] : memref<160000x16xf32, #tpu.memory_space<hbm>> -> memref<80x16xf32, #tpu.memory_space<hbm>>
        %dma_wait3A_372 = arith.constant 0 : i32
        %dma_wait3A_373 = tpu.memref_slice %arg5[%add3A_365, %dma_wait3A_372] : memref<160000x16xf32, #tpu.memory_space<hbm>> -> memref<80x16xf32, #tpu.memory_space<hbm>>
        tpu.wait_dma2 semaphore(%arg21 : memref<!tpu.dma_semaphore, #tpu.memory_space<semaphore_mem>>) src(%dma_wait3A_373 : memref<80x16xf32, #tpu.memory_space<hbm>>) dst(%arg15 : memref<80x16xf32, #tpu.memory_space<vmem>>)
        %dma_start3A_374 = arith.constant 0 : i32
        %dma_start3A_375 = arith.constant 0 : i32
        %dma_start3A_376 = tpu.memref_slice %arg2[%dma_start3A_374, %dma_start3A_375] : memref<10000x128xf32, #tpu.memory_space<hbm>> -> memref<80x128xf32, #tpu.memory_space<hbm>>
        %dma_start3A_377 = arith.constant 0 : i32
        %dma_start3A_378 = arith.constant 0 : i32
        %dma_start3A_379 = tpu.memref_slice %arg2[%dma_start3A_377, %dma_start3A_378] : memref<10000x128xf32, #tpu.memory_space<hbm>> -> memref<80x128xf32, #tpu.memory_space<hbm>>
        tpu.enqueue_dma source(%dma_start3A_379 : memref<80x128xf32, #tpu.memory_space<hbm>>) target(%arg17 : memref<80x128xf32, #tpu.memory_space<vmem>>) target_semaphore(%arg23 : memref<!tpu.dma_semaphore, #tpu.memory_space<semaphore_mem>>)
      } else {
      }
      %get3A_249 = arith.constant 0 : index
      %get3A_250 = tpu.vector_load %arg12[%get3A_249] {strides = array<i32>} : memref<80xi32, #tpu.memory_space<vmem>>, vector<16xi32>,
      %get3A_251 = vector.shape_cast %get3A_250 : vector<16xi32> to vector<16xi32>
      %swap3A_252 = arith.constant 0 : index
      %swap3A_253 = tpu.vector_load %arg14[%swap3A_252] {strides = array<i32>} : memref<80xi32, #tpu.memory_space<vmem>>, vector<16xi32>,
      %swap3A_254 = vector.shape_cast %swap3A_253 : vector<16xi32> to vector<16xi32>
      %swap3A_255 = vector.shape_cast %get3A_251 : vector<16xi32> to vector<16xi32>
      tpu.vector_store %arg14[%swap3A_252], %swap3A_255 {strides = array<i32>} : memref<80xi32, #tpu.memory_space<vmem>>, vector<16xi32>,
      %get3A_256 = arith.constant 16 : index
      %get3A_257 = tpu.vector_load %arg12[%get3A_256] {strides = array<i32>} : memref<80xi32, #tpu.memory_space<vmem>>, vector<16xi32>,
      %get3A_258 = vector.shape_cast %get3A_257 : vector<16xi32> to vector<16xi32>
      %swap3A_259 = arith.constant 16 : index
      %swap3A_260 = tpu.vector_load %arg14[%swap3A_259] {strides = array<i32>} : memref<80xi32, #tpu.memory_space<vmem>>, vector<16xi32>,
      %swap3A_261 = vector.shape_cast %swap3A_260 : vector<16xi32> to vector<16xi32>
      %swap3A_262 = vector.shape_cast %get3A_258 : vector<16xi32> to vector<16xi32>
      tpu.vector_store %arg14[%swap3A_259], %swap3A_262 {strides = array<i32>} : memref<80xi32, #tpu.memory_space<vmem>>, vector<16xi32>,
      %get3A_263 = arith.constant 32 : index
      %get3A_264 = tpu.vector_load %arg12[%get3A_263] {strides = array<i32>} : memref<80xi32, #tpu.memory_space<vmem>>, vector<16xi32>,
      %get3A_265 = vector.shape_cast %get3A_264 : vector<16xi32> to vector<16xi32>
      %swap3A_266 = arith.constant 32 : index
      %swap3A_267 = tpu.vector_load %arg14[%swap3A_266] {strides = array<i32>} : memref<80xi32, #tpu.memory_space<vmem>>, vector<16xi32>,
      %swap3A_268 = vector.shape_cast %swap3A_267 : vector<16xi32> to vector<16xi32>
      %swap3A_269 = vector.shape_cast %get3A_265 : vector<16xi32> to vector<16xi32>
      tpu.vector_store %arg14[%swap3A_266], %swap3A_269 {strides = array<i32>} : memref<80xi32, #tpu.memory_space<vmem>>, vector<16xi32>,
      %get3A_270 = arith.constant 48 : index
      %get3A_271 = tpu.vector_load %arg12[%get3A_270] {strides = array<i32>} : memref<80xi32, #tpu.memory_space<vmem>>, vector<16xi32>,
      %get3A_272 = vector.shape_cast %get3A_271 : vector<16xi32> to vector<16xi32>
      %swap3A_273 = arith.constant 48 : index
      %swap3A_274 = tpu.vector_load %arg14[%swap3A_273] {strides = array<i32>} : memref<80xi32, #tpu.memory_space<vmem>>, vector<16xi32>,
      %swap3A_275 = vector.shape_cast %swap3A_274 : vector<16xi32> to vector<16xi32>
      %swap3A_276 = vector.shape_cast %get3A_272 : vector<16xi32> to vector<16xi32>
      tpu.vector_store %arg14[%swap3A_273], %swap3A_276 {strides = array<i32>} : memref<80xi32, #tpu.memory_space<vmem>>, vector<16xi32>,
      %get3A_277 = arith.constant 64 : index
      %get3A_278 = tpu.vector_load %arg12[%get3A_277] {strides = array<i32>} : memref<80xi32, #tpu.memory_space<vmem>>, vector<16xi32>,
      %get3A_279 = vector.shape_cast %get3A_278 : vector<16xi32> to vector<16xi32>
      %swap3A_280 = arith.constant 64 : index
      %swap3A_281 = tpu.vector_load %arg14[%swap3A_280] {strides = array<i32>} : memref<80xi32, #tpu.memory_space<vmem>>, vector<16xi32>,
      %swap3A_282 = vector.shape_cast %swap3A_281 : vector<16xi32> to vector<16xi32>
      %swap3A_283 = vector.shape_cast %get3A_279 : vector<16xi32> to vector<16xi32>
      tpu.vector_store %arg14[%swap3A_280], %swap3A_283 {strides = array<i32>} : memref<80xi32, #tpu.memory_space<vmem>>, vector<16xi32>,
      %scan3A_284 = arith.constant 0 : i32
      %scan3A_285 = arith.constant 0 : i32
      %scan3A_286 = arith.constant 0 : i32
      %scan3A_287 = arith.addi %scan3A_285, %scan3A_286 : i32
      %scan3A_288 = arith.constant 0 : i32
      %scan3A_289 = arith.addi %scan3A_285, %scan3A_288 : i32
      %get3A_290 = arith.index_cast %scan3A_289 : i32 to index
      %get3A_291 = arith.constant 0 : index
      %get3A_292 = tpu.vector_load %arg16[%get3A_290, %get3A_291] {strides = array<i32>} : memref<80x16xf32, #tpu.memory_space<vmem>>, vector<1x16xf32>,
      %get3A_293 = vector.shape_cast %get3A_292 : vector<1x16xf32> to vector<16xf32>
      %get3A_294 = arith.index_cast %scan3A_289 : i32 to index
      %get3A_295 = arith.constant 0 : index
      %get3A_296 = tpu.vector_load %arg18[%get3A_294, %get3A_295] {strides = array<i32>} : memref<80x128xf32, #tpu.memory_space<vmem>>, vector<1x16xf32>,
      %get3A_297 = vector.shape_cast %get3A_296 : vector<1x16xf32> to vector<16xf32>
      %mul3A_298 = arith.mulf %get3A_297, %get3A_293 : vector<16xf32>
      %swap3A_299 = arith.index_cast %scan3A_289 : i32 to index
      %swap3A_300 = arith.constant 0 : index
      %swap3A_301 = tpu.vector_load %arg18[%swap3A_299, %swap3A_300] {strides = array<i32>} : memref<80x128xf32, #tpu.memory_space<vmem>>, vector<1x16xf32>,
      %swap3A_302 = vector.shape_cast %swap3A_301 : vector<1x16xf32> to vector<16xf32>
      %swap3A_303 = vector.shape_cast %mul3A_298 : vector<16xf32> to vector<1x16xf32>
      tpu.vector_store %arg18[%swap3A_299, %swap3A_300], %swap3A_303 {strides = array<i32>} : memref<80x128xf32, #tpu.memory_space<vmem>>, vector<1x16xf32>,
      %get3A_304 = arith.index_cast %scan3A_289 : i32 to index
      %get3A_305 = arith.constant 16 : index
      %get3A_306 = tpu.vector_load %arg18[%get3A_304, %get3A_305] {strides = array<i32>} : memref<80x128xf32, #tpu.memory_space<vmem>>, vector<1x16xf32>,
      %get3A_307 = vector.shape_cast %get3A_306 : vector<1x16xf32> to vector<16xf32>
      %mul3A_308 = arith.mulf %get3A_307, %get3A_293 : vector<16xf32>
      %swap3A_309 = arith.index_cast %scan3A_289 : i32 to index
      %swap3A_310 = arith.constant 16 : index
      %swap3A_311 = tpu.vector_load %arg18[%swap3A_309, %swap3A_310] {strides = array<i32>} : memref<80x128xf32, #tpu.memory_space<vmem>>, vector<1x16xf32>,
      %swap3A_312 = vector.shape_cast %swap3A_311 : vector<1x16xf32> to vector<16xf32>
      %swap3A_313 = vector.shape_cast %mul3A_308 : vector<16xf32> to vector<1x16xf32>
      tpu.vector_store %arg18[%swap3A_309, %swap3A_310], %swap3A_313 {strides = array<i32>} : memref<80x128xf32, #tpu.memory_space<vmem>>, vector<1x16xf32>,
      %get3A_314 = arith.index_cast %scan3A_289 : i32 to index
      %get3A_315 = arith.constant 32 : index
      %get3A_316 = tpu.vector_load %arg18[%get3A_314, %get3A_315] {strides = array<i32>} : memref<80x128xf32, #tpu.memory_space<vmem>>, vector<1x16xf32>,
      %get3A_317 = vector.shape_cast %get3A_316 : vector<1x16xf32> to vector<16xf32>
      %mul3A_318 = arith.mulf %get3A_317, %get3A_293 : vector<16xf32>
      %swap3A_319 = arith.index_cast %scan3A_289 : i32 to index
      %swap3A_320 = arith.constant 32 : index
      %swap3A_321 = tpu.vector_load %arg18[%swap3A_319, %swap3A_320] {strides = array<i32>} : memref<80x128xf32, #tpu.memory_space<vmem>>, vector<1x16xf32>,
      %swap3A_322 = vector.shape_cast %swap3A_321 : vector<1x16xf32> to vector<16xf32>
      %swap3A_323 = vector.shape_cast %mul3A_318 : vector<16xf32> to vector<1x16xf32>
      tpu.vector_store %arg18[%swap3A_319, %swap3A_320], %swap3A_323 {strides = array<i32>} : memref<80x128xf32, #tpu.memory_space<vmem>>, vector<1x16xf32>,
      %get3A_324 = arith.index_cast %scan3A_289 : i32 to index
      %get3A_325 = arith.constant 48 : index
      %get3A_326 = tpu.vector_load %arg18[%get3A_324, %get3A_325] {strides = array<i32>} : memref<80x128xf32, #tpu.memory_space<vmem>>, vector<1x16xf32>,
      %get3A_327 = vector.shape_cast %get3A_326 : vector<1x16xf32> to vector<16xf32>
      %mul3A_328 = arith.mulf %get3A_327, %get3A_293 : vector<16xf32>
      %swap3A_329 = arith.index_cast %scan3A_289 : i32 to index
      %swap3A_330 = arith.constant 48 : index
      %swap3A_331 = tpu.vector_load %arg18[%swap3A_329, %swap3A_330] {strides = array<i32>} : memref<80x128xf32, #tpu.memory_space<vmem>>, vector<1x16xf32>,
      %swap3A_332 = vector.shape_cast %swap3A_331 : vector<1x16xf32> to vector<16xf32>
      %swap3A_333 = vector.shape_cast %mul3A_328 : vector<16xf32> to vector<1x16xf32>
      tpu.vector_store %arg18[%swap3A_329, %swap3A_330], %swap3A_333 {strides = array<i32>} : memref<80x128xf32, #tpu.memory_space<vmem>>, vector<1x16xf32>,
      %get3A_334 = arith.index_cast %scan3A_289 : i32 to index
      %get3A_335 = arith.constant 64 : index
      %get3A_336 = tpu.vector_load %arg18[%get3A_334, %get3A_335] {strides = array<i32>} : memref<80x128xf32, #tpu.memory_space<vmem>>, vector<1x16xf32>,
      %get3A_337 = vector.shape_cast %get3A_336 : vector<1x16xf32> to vector<16xf32>
      %mul3A_338 = arith.mulf %get3A_337, %get3A_293 : vector<16xf32>
      %swap3A_339 = arith.index_cast %scan3A_289 : i32 to index
      %swap3A_340 = arith.constant 64 : index
      %swap3A_341 = tpu.vector_load %arg18[%swap3A_339, %swap3A_340] {strides = array<i32>} : memref<80x128xf32, #tpu.memory_space<vmem>>, vector<1x16xf32>,
      %swap3A_342 = vector.shape_cast %swap3A_341 : vector<1x16xf32> to vector<16xf32>
      %swap3A_343 = vector.shape_cast %mul3A_338 : vector<16xf32> to vector<1x16xf32>
      tpu.vector_store %arg18[%swap3A_339, %swap3A_340], %swap3A_343 {strides = array<i32>} : memref<80x128xf32, #tpu.memory_space<vmem>>, vector<1x16xf32>,
      %get3A_344 = arith.index_cast %scan3A_289 : i32 to index
      %get3A_345 = arith.constant 80 : index
      %get3A_346 = tpu.vector_load %arg18[%get3A_344, %get3A_345] {strides = array<i32>} : memref<80x128xf32, #tpu.memory_space<vmem>>, vector<1x16xf32>,
      %get3A_347 = vector.shape_cast %get3A_346 : vector<1x16xf32> to vector<16xf32>
      %mul3A_348 = arith.mulf %get3A_347, %get3A_293 : vector<16xf32>
      %swap3A_349 = arith.index_cast %scan3A_289 : i32 to index
      %swap3A_350 = arith.constant 80 : index
      %swap3A_351 = tpu.vector_load %arg18[%swap3A_349, %swap3A_350] {strides = array<i32>} : memref<80x128xf32, #tpu.memory_space<vmem>>, vector<1x16xf32>,
      %swap3A_352 = vector.shape_cast %swap3A_351 : vector<1x16xf32> to vector<16xf32>
      %swap3A_353 = vector.shape_cast %mul3A_348 : vector<16xf32> to vector<1x16xf32>
      tpu.vector_store %arg18[%swap3A_349, %swap3A_350], %swap3A_353 {strides = array<i32>} : memref<80x128xf32, #tpu.memory_space<vmem>>, vector<1x16xf32>,
      %scan3A_354 = arith.constant 1 : i32
      %add3A_355 = arith.constant 1 : i32
      %add3A_356 = arith.addi %while3A_99, %add3A_355 : i32
      %lt3A_357 = arith.cmpi slt, %add3A_356, %select_n3A_45 : i32
      %convert_element_type3A_358 = arith.extui %lt3A_357 : i1 to i32
      %cond3A_359 = arith.constant 0 : i32
      %cond3A_360 = arith.cmpi ne, %convert_element_type3A_358, %cond3A_359 : i32
      scf.if %cond3A_360 {
        %add3A_361 = arith.constant 3 : i32
        %add3A_362 = arith.addi %mul3A_101, %add3A_361 : i32
        %mul3A_363 = arith.constant 80 : i32
        %mul3A_364 = arith.muli %add3A_362, %mul3A_363 : i32
        %add3A_365 = arith.addi %mul3A_2, %mul3A_364 : i32
        %dma_start3A_366 = tpu.memref_slice %arg3[%add3A_365] : memref<160000xi32, #tpu.memory_space<hbm>> -> memref<80xi32, #tpu.memory_space<hbm>>
        %dma_start3A_367 = tpu.memref_slice %arg3[%add3A_365] : memref<160000xi32, #tpu.memory_space<hbm>> -> memref<80xi32, #tpu.memory_space<hbm>>
        tpu.enqueue_dma source(%dma_start3A_367 : memref<80xi32, #tpu.memory_space<hbm>>) target(%arg10 : memref<80xi32, #tpu.memory_space<vmem>>) target_semaphore(%arg20 : memref<!tpu.dma_semaphore, #tpu.memory_space<semaphore_mem>>)
        %dma_start3A_368 = tpu.memref_slice %arg4[%add3A_365] : memref<160000xi32, #tpu.memory_space<hbm>> -> memref<80xi32, #tpu.memory_space<hbm>>
        %dma_start3A_369 = tpu.memref_slice %arg4[%add3A_365] : memref<160000xi32, #tpu.memory_space<hbm>> -> memref<80xi32, #tpu.memory_space<hbm>>
        tpu.enqueue_dma source(%dma_start3A_369 : memref<80xi32, #tpu.memory_space<hbm>>) target(%arg12 : memref<80xi32, #tpu.memory_space<vmem>>) target_semaphore(%arg20 : memref<!tpu.dma_semaphore, #tpu.memory_space<semaphore_mem>>)
        %dma_start3A_370 = arith.constant 0 : i32
        %dma_start3A_371 = tpu.memref_slice %arg5[%add3A_365, %dma_start3A_370] : memref<160000x16xf32, #tpu.memory_space<hbm>> -> memref<80x16xf32, #tpu.memory_space<hbm>>
        %dma_start3A_372 = arith.constant 0 : i32
        %dma_start3A_373 = tpu.memref_slice %arg5[%add3A_365, %dma_start3A_372] : memref<160000x16xf32, #tpu.memory_space<hbm>> -> memref<80x16xf32, #tpu.memory_space<hbm>>
        tpu.enqueue_dma source(%dma_start3A_373 : memref<80x16xf32, #tpu.memory_space<hbm>>) target(%arg16 : memref<80x16xf32, #tpu.memory_space<vmem>>) target_semaphore(%arg22 : memref<!tpu.dma_semaphore, #tpu.memory_space<semaphore_mem>>)
      } else {
      }
    }
    %while3A_90 = arith.constant 1 : i32
    scf.for %while3A_99 = %while3A_88 to %while3A_84 step %while3A_90  : i32 {
      %mul3A_100 = arith.constant 2 : i32
      %mul3A_101 = arith.muli %mul3A_100, %while3A_99 : i32
      %dma_wait3A_102 = arith.constant 0 : i32
      %dma_wait3A_103 = arith.constant 0 : i32
      %dma_wait3A_104 = tpu.memref_slice %arg2[%dma_wait3A_102, %dma_wait3A_103] : memref<10000x128xf32, #tpu.memory_space<hbm>> -> memref<80x128xf32, #tpu.memory_space<hbm>>
      %dma_wait3A_105 = arith.constant 0 : i32
      %dma_wait3A_106 = arith.constant 0 : i32
      %dma_wait3A_107 = tpu.memref_slice %arg2[%dma_wait3A_105, %dma_wait3A_106] : memref<10000x128xf32, #tpu.memory_space<hbm>> -> memref<80x128xf32, #tpu.memory_space<hbm>>
      tpu.wait_dma2 semaphore(%arg23 : memref<!tpu.dma_semaphore, #tpu.memory_space<semaphore_mem>>) src(%dma_wait3A_107 : memref<80x128xf32, #tpu.memory_space<hbm>>) dst(%arg17 : memref<80x128xf32, #tpu.memory_space<vmem>>)
      %gt3A = arith.constant 0 : i32
      %gt3A_108 = arith.cmpi sgt, %while3A_99, %gt3A : i32
      %convert_element_type3A = arith.extui %gt3A_108 : i1 to i32
      %cond3A = arith.constant 0 : i32
      %cond3A_109 = arith.cmpi ne, %convert_element_type3A, %cond3A : i32
      scf.if %cond3A_109 {
      } else {
      }
      %add3A_110 = arith.constant 1 : i32
      %add3A_111 = arith.addi %mul3A_101, %add3A_110 : i32
      %mul3A_112 = arith.constant 80 : i32
      %mul3A_113 = arith.muli %add3A_111, %mul3A_112 : i32
      %add3A_114 = arith.addi %mul3A_2, %mul3A_113 : i32
      %dma_wait3A_115 = tpu.memref_slice %arg3[%add3A_114] : memref<160000xi32, #tpu.memory_space<hbm>> -> memref<80xi32, #tpu.memory_space<hbm>>
      %dma_wait3A_116 = tpu.memref_slice %arg3[%add3A_114] : memref<160000xi32, #tpu.memory_space<hbm>> -> memref<80xi32, #tpu.memory_space<hbm>>
      tpu.wait_dma2 semaphore(%arg20 : memref<!tpu.dma_semaphore, #tpu.memory_space<semaphore_mem>>) src(%dma_wait3A_116 : memref<80xi32, #tpu.memory_space<hbm>>) dst(%arg10 : memref<80xi32, #tpu.memory_space<vmem>>)
      %dma_wait3A_117 = tpu.memref_slice %arg4[%add3A_114] : memref<160000xi32, #tpu.memory_space<hbm>> -> memref<80xi32, #tpu.memory_space<hbm>>
      %dma_wait3A_118 = tpu.memref_slice %arg4[%add3A_114] : memref<160000xi32, #tpu.memory_space<hbm>> -> memref<80xi32, #tpu.memory_space<hbm>>
      tpu.wait_dma2 semaphore(%arg20 : memref<!tpu.dma_semaphore, #tpu.memory_space<semaphore_mem>>) src(%dma_wait3A_118 : memref<80xi32, #tpu.memory_space<hbm>>) dst(%arg12 : memref<80xi32, #tpu.memory_space<vmem>>)
      %dma_wait3A_119 = arith.constant 0 : i32
      %dma_wait3A_120 = tpu.memref_slice %arg5[%add3A_114, %dma_wait3A_119] : memref<160000x16xf32, #tpu.memory_space<hbm>> -> memref<80x16xf32, #tpu.memory_space<hbm>>
      %dma_wait3A_121 = arith.constant 0 : i32
      %dma_wait3A_122 = tpu.memref_slice %arg5[%add3A_114, %dma_wait3A_121] : memref<160000x16xf32, #tpu.memory_space<hbm>> -> memref<80x16xf32, #tpu.memory_space<hbm>>
      tpu.wait_dma2 semaphore(%arg22 : memref<!tpu.dma_semaphore, #tpu.memory_space<semaphore_mem>>) src(%dma_wait3A_122 : memref<80x16xf32, #tpu.memory_space<hbm>>) dst(%arg16 : memref<80x16xf32, #tpu.memory_space<vmem>>)
      %dma_start3A_123 = arith.constant 0 : i32
      %dma_start3A_124 = arith.constant 0 : i32
      %dma_start3A_125 = tpu.memref_slice %arg2[%dma_start3A_123, %dma_start3A_124] : memref<10000x128xf32, #tpu.memory_space<hbm>> -> memref<80x128xf32, #tpu.memory_space<hbm>>
      %dma_start3A_126 = arith.constant 0 : i32
      %dma_start3A_127 = arith.constant 0 : i32
      %dma_start3A_128 = tpu.memref_slice %arg2[%dma_start3A_126, %dma_start3A_127] : memref<10000x128xf32, #tpu.memory_space<hbm>> -> memref<80x128xf32, #tpu.memory_space<hbm>>
      tpu.enqueue_dma source(%dma_start3A_128 : memref<80x128xf32, #tpu.memory_space<hbm>>) target(%arg18 : memref<80x128xf32, #tpu.memory_space<vmem>>) target_semaphore(%arg24 : memref<!tpu.dma_semaphore, #tpu.memory_space<semaphore_mem>>)
      %get3A = arith.constant 0 : index
      %get3A_129 = tpu.vector_load %arg11[%get3A] {strides = array<i32>} : memref<80xi32, #tpu.memory_space<vmem>>, vector<16xi32>,
      %get3A_130 = vector.shape_cast %get3A_129 : vector<16xi32> to vector<16xi32>
      %swap3A = arith.constant 0 : index
      %swap3A_131 = tpu.vector_load %arg13[%swap3A] {strides = array<i32>} : memref<80xi32, #tpu.memory_space<vmem>>, vector<16xi32>,
      %swap3A_132 = vector.shape_cast %swap3A_131 : vector<16xi32> to vector<16xi32>
      %swap3A_133 = vector.shape_cast %get3A_130 : vector<16xi32> to vector<16xi32>
      tpu.vector_store %arg13[%swap3A], %swap3A_133 {strides = array<i32>} : memref<80xi32, #tpu.memory_space<vmem>>, vector<16xi32>,
      %get3A_134 = arith.constant 16 : index
      %get3A_135 = tpu.vector_load %arg11[%get3A_134] {strides = array<i32>} : memref<80xi32, #tpu.memory_space<vmem>>, vector<16xi32>,
      %get3A_136 = vector.shape_cast %get3A_135 : vector<16xi32> to vector<16xi32>
      %swap3A_137 = arith.constant 16 : index
      %swap3A_138 = tpu.vector_load %arg13[%swap3A_137] {strides = array<i32>} : memref<80xi32, #tpu.memory_space<vmem>>, vector<16xi32>,
      %swap3A_139 = vector.shape_cast %swap3A_138 : vector<16xi32> to vector<16xi32>
      %swap3A_140 = vector.shape_cast %get3A_136 : vector<16xi32> to vector<16xi32>
      tpu.vector_store %arg13[%swap3A_137], %swap3A_140 {strides = array<i32>} : memref<80xi32, #tpu.memory_space<vmem>>, vector<16xi32>,
      %get3A_141 = arith.constant 32 : index
      %get3A_142 = tpu.vector_load %arg11[%get3A_141] {strides = array<i32>} : memref<80xi32, #tpu.memory_space<vmem>>, vector<16xi32>,
      %get3A_143 = vector.shape_cast %get3A_142 : vector<16xi32> to vector<16xi32>
      %swap3A_144 = arith.constant 32 : index
      %swap3A_145 = tpu.vector_load %arg13[%swap3A_144] {strides = array<i32>} : memref<80xi32, #tpu.memory_space<vmem>>, vector<16xi32>,
      %swap3A_146 = vector.shape_cast %swap3A_145 : vector<16xi32> to vector<16xi32>
      %swap3A_147 = vector.shape_cast %get3A_143 : vector<16xi32> to vector<16xi32>
      tpu.vector_store %arg13[%swap3A_144], %swap3A_147 {strides = array<i32>} : memref<80xi32, #tpu.memory_space<vmem>>, vector<16xi32>,
      %get3A_148 = arith.constant 48 : index
      %get3A_149 = tpu.vector_load %arg11[%get3A_148] {strides = array<i32>} : memref<80xi32, #tpu.memory_space<vmem>>, vector<16xi32>,
      %get3A_150 = vector.shape_cast %get3A_149 : vector<16xi32> to vector<16xi32>
      %swap3A_151 = arith.constant 48 : index
      %swap3A_152 = tpu.vector_load %arg13[%swap3A_151] {strides = array<i32>} : memref<80xi32, #tpu.memory_space<vmem>>, vector<16xi32>,
      %swap3A_153 = vector.shape_cast %swap3A_152 : vector<16xi32> to vector<16xi32>
      %swap3A_154 = vector.shape_cast %get3A_150 : vector<16xi32> to vector<16xi32>
      tpu.vector_store %arg13[%swap3A_151], %swap3A_154 {strides = array<i32>} : memref<80xi32, #tpu.memory_space<vmem>>, vector<16xi32>,
      %get3A_155 = arith.constant 64 : index
      %get3A_156 = tpu.vector_load %arg11[%get3A_155] {strides = array<i32>} : memref<80xi32, #tpu.memory_space<vmem>>, vector<16xi32>,
      %get3A_157 = vector.shape_cast %get3A_156 : vector<16xi32> to vector<16xi32>
      %swap3A_158 = arith.constant 64 : index
      %swap3A_159 = tpu.vector_load %arg13[%swap3A_158] {strides = array<i32>} : memref<80xi32, #tpu.memory_space<vmem>>, vector<16xi32>,
      %swap3A_160 = vector.shape_cast %swap3A_159 : vector<16xi32> to vector<16xi32>
      %swap3A_161 = vector.shape_cast %get3A_157 : vector<16xi32> to vector<16xi32>
      tpu.vector_store %arg13[%swap3A_158], %swap3A_161 {strides = array<i32>} : memref<80xi32, #tpu.memory_space<vmem>>, vector<16xi32>,
      %scan3A = arith.constant 0 : i32
      %scan3A_162 = arith.constant 0 : i32
      %scan3A_163 = arith.constant 0 : i32
      %scan3A_164 = arith.addi %scan3A_162, %scan3A_163 : i32
      %scan3A_165 = arith.constant 0 : i32
      %scan3A_166 = arith.addi %scan3A_162, %scan3A_165 : i32
      %get3A_167 = arith.index_cast %scan3A_166 : i32 to index
      %get3A_168 = arith.constant 0 : index
      %get3A_169 = tpu.vector_load %arg15[%get3A_167, %get3A_168] {strides = array<i32>} : memref<80x16xf32, #tpu.memory_space<vmem>>, vector<1x16xf32>,
      %get3A_170 = vector.shape_cast %get3A_169 : vector<1x16xf32> to vector<16xf32>
      %get3A_171 = arith.index_cast %scan3A_166 : i32 to index
      %get3A_172 = arith.constant 0 : index
      %get3A_173 = tpu.vector_load %arg17[%get3A_171, %get3A_172] {strides = array<i32>} : memref<80x128xf32, #tpu.memory_space<vmem>>, vector<1x16xf32>,
      %get3A_174 = vector.shape_cast %get3A_173 : vector<1x16xf32> to vector<16xf32>
      %mul3A_175 = arith.mulf %get3A_174, %get3A_170 : vector<16xf32>
      %swap3A_176 = arith.index_cast %scan3A_166 : i32 to index
      %swap3A_177 = arith.constant 0 : index
      %swap3A_178 = tpu.vector_load %arg17[%swap3A_176, %swap3A_177] {strides = array<i32>} : memref<80x128xf32, #tpu.memory_space<vmem>>, vector<1x16xf32>,
      %swap3A_179 = vector.shape_cast %swap3A_178 : vector<1x16xf32> to vector<16xf32>
      %swap3A_180 = vector.shape_cast %mul3A_175 : vector<16xf32> to vector<1x16xf32>
      tpu.vector_store %arg17[%swap3A_176, %swap3A_177], %swap3A_180 {strides = array<i32>} : memref<80x128xf32, #tpu.memory_space<vmem>>, vector<1x16xf32>,
      %get3A_181 = arith.index_cast %scan3A_166 : i32 to index
      %get3A_182 = arith.constant 16 : index
      %get3A_183 = tpu.vector_load %arg17[%get3A_181, %get3A_182] {strides = array<i32>} : memref<80x128xf32, #tpu.memory_space<vmem>>, vector<1x16xf32>,
      %get3A_184 = vector.shape_cast %get3A_183 : vector<1x16xf32> to vector<16xf32>
      %mul3A_185 = arith.mulf %get3A_184, %get3A_170 : vector<16xf32>
      %swap3A_186 = arith.index_cast %scan3A_166 : i32 to index
      %swap3A_187 = arith.constant 16 : index
      %swap3A_188 = tpu.vector_load %arg17[%swap3A_186, %swap3A_187] {strides = array<i32>} : memref<80x128xf32, #tpu.memory_space<vmem>>, vector<1x16xf32>,
      %swap3A_189 = vector.shape_cast %swap3A_188 : vector<1x16xf32> to vector<16xf32>
      %swap3A_190 = vector.shape_cast %mul3A_185 : vector<16xf32> to vector<1x16xf32>
      tpu.vector_store %arg17[%swap3A_186, %swap3A_187], %swap3A_190 {strides = array<i32>} : memref<80x128xf32, #tpu.memory_space<vmem>>, vector<1x16xf32>,
      %get3A_191 = arith.index_cast %scan3A_166 : i32 to index
      %get3A_192 = arith.constant 32 : index
      %get3A_193 = tpu.vector_load %arg17[%get3A_191, %get3A_192] {strides = array<i32>} : memref<80x128xf32, #tpu.memory_space<vmem>>, vector<1x16xf32>,
      %get3A_194 = vector.shape_cast %get3A_193 : vector<1x16xf32> to vector<16xf32>
      %mul3A_195 = arith.mulf %get3A_194, %get3A_170 : vector<16xf32>
      %swap3A_196 = arith.index_cast %scan3A_166 : i32 to index
      %swap3A_197 = arith.constant 32 : index
      %swap3A_198 = tpu.vector_load %arg17[%swap3A_196, %swap3A_197] {strides = array<i32>} : memref<80x128xf32, #tpu.memory_space<vmem>>, vector<1x16xf32>,
      %swap3A_199 = vector.shape_cast %swap3A_198 : vector<1x16xf32> to vector<16xf32>
      %swap3A_200 = vector.shape_cast %mul3A_195 : vector<16xf32> to vector<1x16xf32>
      tpu.vector_store %arg17[%swap3A_196, %swap3A_197], %swap3A_200 {strides = array<i32>} : memref<80x128xf32, #tpu.memory_space<vmem>>, vector<1x16xf32>,
      %get3A_201 = arith.index_cast %scan3A_166 : i32 to index
      %get3A_202 = arith.constant 48 : index
      %get3A_203 = tpu.vector_load %arg17[%get3A_201, %get3A_202] {strides = array<i32>} : memref<80x128xf32, #tpu.memory_space<vmem>>, vector<1x16xf32>,
      %get3A_204 = vector.shape_cast %get3A_203 : vector<1x16xf32> to vector<16xf32>
      %mul3A_205 = arith.mulf %get3A_204, %get3A_170 : vector<16xf32>
      %swap3A_206 = arith.index_cast %scan3A_166 : i32 to index
      %swap3A_207 = arith.constant 48 : index
      %swap3A_208 = tpu.vector_load %arg17[%swap3A_206, %swap3A_207] {strides = array<i32>} : memref<80x128xf32, #tpu.memory_space<vmem>>, vector<1x16xf32>,
      %swap3A_209 = vector.shape_cast %swap3A_208 : vector<1x16xf32> to vector<16xf32>
      %swap3A_210 = vector.shape_cast %mul3A_205 : vector<16xf32> to vector<1x16xf32>
      tpu.vector_store %arg17[%swap3A_206, %swap3A_207], %swap3A_210 {strides = array<i32>} : memref<80x128xf32, #tpu.memory_space<vmem>>, vector<1x16xf32>,
      %get3A_211 = arith.index_cast %scan3A_166 : i32 to index
      %get3A_212 = arith.constant 64 : index
      %get3A_213 = tpu.vector_load %arg17[%get3A_211, %get3A_212] {strides = array<i32>} : memref<80x128xf32, #tpu.memory_space<vmem>>, vector<1x16xf32>,
      %get3A_214 = vector.shape_cast %get3A_213 : vector<1x16xf32> to vector<16xf32>
      %mul3A_215 = arith.mulf %get3A_214, %get3A_170 : vector<16xf32>
      %swap3A_216 = arith.index_cast %scan3A_166 : i32 to index
      %swap3A_217 = arith.constant 64 : index
      %swap3A_218 = tpu.vector_load %arg17[%swap3A_216, %swap3A_217] {strides = array<i32>} : memref<80x128xf32, #tpu.memory_space<vmem>>, vector<1x16xf32>,
      %swap3A_219 = vector.shape_cast %swap3A_218 : vector<1x16xf32> to vector<16xf32>
      %swap3A_220 = vector.shape_cast %mul3A_215 : vector<16xf32> to vector<1x16xf32>
      tpu.vector_store %arg17[%swap3A_216, %swap3A_217], %swap3A_220 {strides = array<i32>} : memref<80x128xf32, #tpu.memory_space<vmem>>, vector<1x16xf32>,
      %get3A_221 = arith.index_cast %scan3A_166 : i32 to index
      %get3A_222 = arith.constant 80 : index
      %get3A_223 = tpu.vector_load %arg17[%get3A_221, %get3A_222] {strides = array<i32>} : memref<80x128xf32, #tpu.memory_space<vmem>>, vector<1x16xf32>,
      %get3A_224 = vector.shape_cast %get3A_223 : vector<1x16xf32> to vector<16xf32>
      %mul3A_225 = arith.mulf %get3A_224, %get3A_170 : vector<16xf32>
      %swap3A_226 = arith.index_cast %scan3A_166 : i32 to index
      %swap3A_227 = arith.constant 80 : index
      %swap3A_228 = tpu.vector_load %arg17[%swap3A_226, %swap3A_227] {strides = array<i32>} : memref<80x128xf32, #tpu.memory_space<vmem>>, vector<1x16xf32>,
      %swap3A_229 = vector.shape_cast %swap3A_228 : vector<1x16xf32> to vector<16xf32>
      %swap3A_230 = vector.shape_cast %mul3A_225 : vector<16xf32> to vector<1x16xf32>
      tpu.vector_store %arg17[%swap3A_226, %swap3A_227], %swap3A_230 {strides = array<i32>} : memref<80x128xf32, #tpu.memory_space<vmem>>, vector<1x16xf32>,
      %scan3A_231 = arith.constant 1 : i32
      %add3A_232 = arith.constant 1 : i32
      %add3A_233 = arith.addi %while3A_99, %add3A_232 : i32
      %lt3A = arith.cmpi slt, %add3A_233, %select_n3A_45 : i32
      %convert_element_type3A_234 = arith.extui %lt3A : i1 to i32
      %cond3A_235 = arith.constant 0 : i32
      %cond3A_236 = arith.cmpi ne, %convert_element_type3A_234, %cond3A_235 : i32
      scf.if %cond3A_236 {
        %add3A_361 = arith.constant 2 : i32
        %add3A_362 = arith.addi %mul3A_101, %add3A_361 : i32
        %mul3A_363 = arith.constant 80 : i32
        %mul3A_364 = arith.muli %add3A_362, %mul3A_363 : i32
        %add3A_365 = arith.addi %mul3A_2, %mul3A_364 : i32
        %dma_start3A_366 = tpu.memref_slice %arg3[%add3A_365] : memref<160000xi32, #tpu.memory_space<hbm>> -> memref<80xi32, #tpu.memory_space<hbm>>
        %dma_start3A_367 = tpu.memref_slice %arg3[%add3A_365] : memref<160000xi32, #tpu.memory_space<hbm>> -> memref<80xi32, #tpu.memory_space<hbm>>
        tpu.enqueue_dma source(%dma_start3A_367 : memref<80xi32, #tpu.memory_space<hbm>>) target(%arg9 : memref<80xi32, #tpu.memory_space<vmem>>) target_semaphore(%arg19 : memref<!tpu.dma_semaphore, #tpu.memory_space<semaphore_mem>>)
        %dma_start3A_368 = tpu.memref_slice %arg4[%add3A_365] : memref<160000xi32, #tpu.memory_space<hbm>> -> memref<80xi32, #tpu.memory_space<hbm>>
        %dma_start3A_369 = tpu.memref_slice %arg4[%add3A_365] : memref<160000xi32, #tpu.memory_space<hbm>> -> memref<80xi32, #tpu.memory_space<hbm>>
        tpu.enqueue_dma source(%dma_start3A_369 : memref<80xi32, #tpu.memory_space<hbm>>) target(%arg11 : memref<80xi32, #tpu.memory_space<vmem>>) target_semaphore(%arg19 : memref<!tpu.dma_semaphore, #tpu.memory_space<semaphore_mem>>)
        %dma_start3A_370 = arith.constant 0 : i32
        %dma_start3A_371 = tpu.memref_slice %arg5[%add3A_365, %dma_start3A_370] : memref<160000x16xf32, #tpu.memory_space<hbm>> -> memref<80x16xf32, #tpu.memory_space<hbm>>
        %dma_start3A_372 = arith.constant 0 : i32
        %dma_start3A_373 = tpu.memref_slice %arg5[%add3A_365, %dma_start3A_372] : memref<160000x16xf32, #tpu.memory_space<hbm>> -> memref<80x16xf32, #tpu.memory_space<hbm>>
        tpu.enqueue_dma source(%dma_start3A_373 : memref<80x16xf32, #tpu.memory_space<hbm>>) target(%arg15 : memref<80x16xf32, #tpu.memory_space<vmem>>) target_semaphore(%arg21 : memref<!tpu.dma_semaphore, #tpu.memory_space<semaphore_mem>>)
      } else {
      }
      %dma_wait3A_237 = arith.constant 0 : i32
      %dma_wait3A_238 = arith.constant 0 : i32
      %dma_wait3A_239 = tpu.memref_slice %arg2[%dma_wait3A_237, %dma_wait3A_238] : memref<10000x128xf32, #tpu.memory_space<hbm>> -> memref<80x128xf32, #tpu.memory_space<hbm>>
      %dma_wait3A_240 = arith.constant 0 : i32
      %dma_wait3A_241 = arith.constant 0 : i32
      %dma_wait3A_242 = tpu.memref_slice %arg2[%dma_wait3A_240, %dma_wait3A_241] : memref<10000x128xf32, #tpu.memory_space<hbm>> -> memref<80x128xf32, #tpu.memory_space<hbm>>
      tpu.wait_dma2 semaphore(%arg24 : memref<!tpu.dma_semaphore, #tpu.memory_space<semaphore_mem>>) src(%dma_wait3A_242 : memref<80x128xf32, #tpu.memory_space<hbm>>) dst(%arg18 : memref<80x128xf32, #tpu.memory_space<vmem>>)
      %add3A_243 = arith.constant 1 : i32
      %add3A_244 = arith.addi %while3A_99, %add3A_243 : i32
      %lt3A_245 = arith.cmpi slt, %add3A_244, %select_n3A_45 : i32
      %convert_element_type3A_246 = arith.extui %lt3A_245 : i1 to i32
      %cond3A_247 = arith.constant 0 : i32
      %cond3A_248 = arith.cmpi ne, %convert_element_type3A_246, %cond3A_247 : i32
      scf.if %cond3A_248 {
        %add3A_361 = arith.constant 2 : i32
        %add3A_362 = arith.addi %mul3A_101, %add3A_361 : i32
        %mul3A_363 = arith.constant 80 : i32
        %mul3A_364 = arith.muli %add3A_362, %mul3A_363 : i32
        %add3A_365 = arith.addi %mul3A_2, %mul3A_364 : i32
        %dma_wait3A_366 = tpu.memref_slice %arg3[%add3A_365] : memref<160000xi32, #tpu.memory_space<hbm>> -> memref<80xi32, #tpu.memory_space<hbm>>
        %dma_wait3A_367 = tpu.memref_slice %arg3[%add3A_365] : memref<160000xi32, #tpu.memory_space<hbm>> -> memref<80xi32, #tpu.memory_space<hbm>>
        tpu.wait_dma2 semaphore(%arg19 : memref<!tpu.dma_semaphore, #tpu.memory_space<semaphore_mem>>) src(%dma_wait3A_367 : memref<80xi32, #tpu.memory_space<hbm>>) dst(%arg9 : memref<80xi32, #tpu.memory_space<vmem>>)
        %dma_wait3A_368 = tpu.memref_slice %arg4[%add3A_365] : memref<160000xi32, #tpu.memory_space<hbm>> -> memref<80xi32, #tpu.memory_space<hbm>>
        %dma_wait3A_369 = tpu.memref_slice %arg4[%add3A_365] : memref<160000xi32, #tpu.memory_space<hbm>> -> memref<80xi32, #tpu.memory_space<hbm>>
        tpu.wait_dma2 semaphore(%arg19 : memref<!tpu.dma_semaphore, #tpu.memory_space<semaphore_mem>>) src(%dma_wait3A_369 : memref<80xi32, #tpu.memory_space<hbm>>) dst(%arg11 : memref<80xi32, #tpu.memory_space<vmem>>)
        %dma_wait3A_370 = arith.constant 0 : i32
        %dma_wait3A_371 = tpu.memref_slice %arg5[%add3A_365, %dma_wait3A_370] : memref<160000x16xf32, #tpu.memory_space<hbm>> -> memref<80x16xf32, #tpu.memory_space<hbm>>
        %dma_wait3A_372 = arith.constant 0 : i32
        %dma_wait3A_373 = tpu.memref_slice %arg5[%add3A_365, %dma_wait3A_372] : memref<160000x16xf32, #tpu.memory_space<hbm>> -> memref<80x16xf32, #tpu.memory_space<hbm>>
        tpu.wait_dma2 semaphore(%arg21 : memref<!tpu.dma_semaphore, #tpu.memory_space<semaphore_mem>>) src(%dma_wait3A_373 : memref<80x16xf32, #tpu.memory_space<hbm>>) dst(%arg15 : memref<80x16xf32, #tpu.memory_space<vmem>>)
        %dma_start3A_374 = arith.constant 0 : i32
        %dma_start3A_375 = arith.constant 0 : i32
        %dma_start3A_376 = tpu.memref_slice %arg2[%dma_start3A_374, %dma_start3A_375] : memref<10000x128xf32, #tpu.memory_space<hbm>> -> memref<80x128xf32, #tpu.memory_space<hbm>>
        %dma_start3A_377 = arith.constant 0 : i32
        %dma_start3A_378 = arith.constant 0 : i32
        %dma_start3A_379 = tpu.memref_slice %arg2[%dma_start3A_377, %dma_start3A_378] : memref<10000x128xf32, #tpu.memory_space<hbm>> -> memref<80x128xf32, #tpu.memory_space<hbm>>
        tpu.enqueue_dma source(%dma_start3A_379 : memref<80x128xf32, #tpu.memory_space<hbm>>) target(%arg17 : memref<80x128xf32, #tpu.memory_space<vmem>>) target_semaphore(%arg23 : memref<!tpu.dma_semaphore, #tpu.memory_space<semaphore_mem>>)
      } else {
      }
      %get3A_249 = arith.constant 0 : index
      %get3A_250 = tpu.vector_load %arg12[%get3A_249] {strides = array<i32>} : memref<80xi32, #tpu.memory_space<vmem>>, vector<16xi32>,
      %get3A_251 = vector.shape_cast %get3A_250 : vector<16xi32> to vector<16xi32>
      %swap3A_252 = arith.constant 0 : index
      %swap3A_253 = tpu.vector_load %arg14[%swap3A_252] {strides = array<i32>} : memref<80xi32, #tpu.memory_space<vmem>>, vector<16xi32>,
      %swap3A_254 = vector.shape_cast %swap3A_253 : vector<16xi32> to vector<16xi32>
      %swap3A_255 = vector.shape_cast %get3A_251 : vector<16xi32> to vector<16xi32>
      tpu.vector_store %arg14[%swap3A_252], %swap3A_255 {strides = array<i32>} : memref<80xi32, #tpu.memory_space<vmem>>, vector<16xi32>,
      %get3A_256 = arith.constant 16 : index
      %get3A_257 = tpu.vector_load %arg12[%get3A_256] {strides = array<i32>} : memref<80xi32, #tpu.memory_space<vmem>>, vector<16xi32>,
      %get3A_258 = vector.shape_cast %get3A_257 : vector<16xi32> to vector<16xi32>
      %swap3A_259 = arith.constant 16 : index
      %swap3A_260 = tpu.vector_load %arg14[%swap3A_259] {strides = array<i32>} : memref<80xi32, #tpu.memory_space<vmem>>, vector<16xi32>,
      %swap3A_261 = vector.shape_cast %swap3A_260 : vector<16xi32> to vector<16xi32>
      %swap3A_262 = vector.shape_cast %get3A_258 : vector<16xi32> to vector<16xi32>
      tpu.vector_store %arg14[%swap3A_259], %swap3A_262 {strides = array<i32>} : memref<80xi32, #tpu.memory_space<vmem>>, vector<16xi32>,
      %get3A_263 = arith.constant 32 : index
      %get3A_264 = tpu.vector_load %arg12[%get3A_263] {strides = array<i32>} : memref<80xi32, #tpu.memory_space<vmem>>, vector<16xi32>,
      %get3A_265 = vector.shape_cast %get3A_264 : vector<16xi32> to vector<16xi32>
      %swap3A_266 = arith.constant 32 : index
      %swap3A_267 = tpu.vector_load %arg14[%swap3A_266] {strides = array<i32>} : memref<80xi32, #tpu.memory_space<vmem>>, vector<16xi32>,
      %swap3A_268 = vector.shape_cast %swap3A_267 : vector<16xi32> to vector<16xi32>
      %swap3A_269 = vector.shape_cast %get3A_265 : vector<16xi32> to vector<16xi32>
      tpu.vector_store %arg14[%swap3A_266], %swap3A_269 {strides = array<i32>} : memref<80xi32, #tpu.memory_space<vmem>>, vector<16xi32>,
      %get3A_270 = arith.constant 48 : index
      %get3A_271 = tpu.vector_load %arg12[%get3A_270] {strides = array<i32>} : memref<80xi32, #tpu.memory_space<vmem>>, vector<16xi32>,
      %get3A_272 = vector.shape_cast %get3A_271 : vector<16xi32> to vector<16xi32>
      %swap3A_273 = arith.constant 48 : index
      %swap3A_274 = tpu.vector_load %arg14[%swap3A_273] {strides = array<i32>} : memref<80xi32, #tpu.memory_space<vmem>>, vector<16xi32>,
      %swap3A_275 = vector.shape_cast %swap3A_274 : vector<16xi32> to vector<16xi32>
      %swap3A_276 = vector.shape_cast %get3A_272 : vector<16xi32> to vector<16xi32>
      tpu.vector_store %arg14[%swap3A_273], %swap3A_276 {strides = array<i32>} : memref<80xi32, #tpu.memory_space<vmem>>, vector<16xi32>,
      %get3A_277 = arith.constant 64 : index
      %get3A_278 = tpu.vector_load %arg12[%get3A_277] {strides = array<i32>} : memref<80xi32, #tpu.memory_space<vmem>>, vector<16xi32>,
      %get3A_279 = vector.shape_cast %get3A_278 : vector<16xi32> to vector<16xi32>
      %swap3A_280 = arith.constant 64 : index
      %swap3A_281 = tpu.vector_load %arg14[%swap3A_280] {strides = array<i32>} : memref<80xi32, #tpu.memory_space<vmem>>, vector<16xi32>,
      %swap3A_282 = vector.shape_cast %swap3A_281 : vector<16xi32> to vector<16xi32>
      %swap3A_283 = vector.shape_cast %get3A_279 : vector<16xi32> to vector<16xi32>
      tpu.vector_store %arg14[%swap3A_280], %swap3A_283 {strides = array<i32>} : memref<80xi32, #tpu.memory_space<vmem>>, vector<16xi32>,
      %scan3A_284 = arith.constant 0 : i32
      %scan3A_285 = arith.constant 0 : i32
      %scan3A_286 = arith.constant 0 : i32
      %scan3A_287 = arith.addi %scan3A_285, %scan3A_286 : i32
      %scan3A_288 = arith.constant 0 : i32
      %scan3A_289 = arith.addi %scan3A_285, %scan3A_288 : i32
      %get3A_290 = arith.index_cast %scan3A_289 : i32 to index
      %get3A_291 = arith.constant 0 : index
      %get3A_292 = tpu.vector_load %arg16[%get3A_290, %get3A_291] {strides = array<i32>} : memref<80x16xf32, #tpu.memory_space<vmem>>, vector<1x16xf32>,
      %get3A_293 = vector.shape_cast %get3A_292 : vector<1x16xf32> to vector<16xf32>
      %get3A_294 = arith.index_cast %scan3A_289 : i32 to index
      %get3A_295 = arith.constant 0 : index
      %get3A_296 = tpu.vector_load %arg18[%get3A_294, %get3A_295] {strides = array<i32>} : memref<80x128xf32, #tpu.memory_space<vmem>>, vector<1x16xf32>,
      %get3A_297 = vector.shape_cast %get3A_296 : vector<1x16xf32> to vector<16xf32>
      %mul3A_298 = arith.mulf %get3A_297, %get3A_293 : vector<16xf32>
      %swap3A_299 = arith.index_cast %scan3A_289 : i32 to index
      %swap3A_300 = arith.constant 0 : index
      %swap3A_301 = tpu.vector_load %arg18[%swap3A_299, %swap3A_300] {strides = array<i32>} : memref<80x128xf32, #tpu.memory_space<vmem>>, vector<1x16xf32>,
      %swap3A_302 = vector.shape_cast %swap3A_301 : vector<1x16xf32> to vector<16xf32>
      %swap3A_303 = vector.shape_cast %mul3A_298 : vector<16xf32> to vector<1x16xf32>
      tpu.vector_store %arg18[%swap3A_299, %swap3A_300], %swap3A_303 {strides = array<i32>} : memref<80x128xf32, #tpu.memory_space<vmem>>, vector<1x16xf32>,
      %get3A_304 = arith.index_cast %scan3A_289 : i32 to index
      %get3A_305 = arith.constant 16 : index
      %get3A_306 = tpu.vector_load %arg18[%get3A_304, %get3A_305] {strides = array<i32>} : memref<80x128xf32, #tpu.memory_space<vmem>>, vector<1x16xf32>,
      %get3A_307 = vector.shape_cast %get3A_306 : vector<1x16xf32> to vector<16xf32>
      %mul3A_308 = arith.mulf %get3A_307, %get3A_293 : vector<16xf32>
      %swap3A_309 = arith.index_cast %scan3A_289 : i32 to index
      %swap3A_310 = arith.constant 16 : index
      %swap3A_311 = tpu.vector_load %arg18[%swap3A_309, %swap3A_310] {strides = array<i32>} : memref<80x128xf32, #tpu.memory_space<vmem>>, vector<1x16xf32>,
      %swap3A_312 = vector.shape_cast %swap3A_311 : vector<1x16xf32> to vector<16xf32>
      %swap3A_313 = vector.shape_cast %mul3A_308 : vector<16xf32> to vector<1x16xf32>
      tpu.vector_store %arg18[%swap3A_309, %swap3A_310], %swap3A_313 {strides = array<i32>} : memref<80x128xf32, #tpu.memory_space<vmem>>, vector<1x16xf32>,
      %get3A_314 = arith.index_cast %scan3A_289 : i32 to index
      %get3A_315 = arith.constant 32 : index
      %get3A_316 = tpu.vector_load %arg18[%get3A_314, %get3A_315] {strides = array<i32>} : memref<80x128xf32, #tpu.memory_space<vmem>>, vector<1x16xf32>,
      %get3A_317 = vector.shape_cast %get3A_316 : vector<1x16xf32> to vector<16xf32>
      %mul3A_318 = arith.mulf %get3A_317, %get3A_293 : vector<16xf32>
      %swap3A_319 = arith.index_cast %scan3A_289 : i32 to index
      %swap3A_320 = arith.constant 32 : index
      %swap3A_321 = tpu.vector_load %arg18[%swap3A_319, %swap3A_320] {strides = array<i32>} : memref<80x128xf32, #tpu.memory_space<vmem>>, vector<1x16xf32>,
      %swap3A_322 = vector.shape_cast %swap3A_321 : vector<1x16xf32> to vector<16xf32>
      %swap3A_323 = vector.shape_cast %mul3A_318 : vector<16xf32> to vector<1x16xf32>
      tpu.vector_store %arg18[%swap3A_319, %swap3A_320], %swap3A_323 {strides = array<i32>} : memref<80x128xf32, #tpu.memory_space<vmem>>, vector<1x16xf32>,
      %get3A_324 = arith.index_cast %scan3A_289 : i32 to index
      %get3A_325 = arith.constant 48 : index
      %get3A_326 = tpu.vector_load %arg18[%get3A_324, %get3A_325] {strides = array<i32>} : memref<80x128xf32, #tpu.memory_space<vmem>>, vector<1x16xf32>,
      %get3A_327 = vector.shape_cast %get3A_326 : vector<1x16xf32> to vector<16xf32>
      %mul3A_328 = arith.mulf %get3A_327, %get3A_293 : vector<16xf32>
      %swap3A_329 = arith.index_cast %scan3A_289 : i32 to index
      %swap3A_330 = arith.constant 48 : index
      %swap3A_331 = tpu.vector_load %arg18[%swap3A_329, %swap3A_330] {strides = array<i32>} : memref<80x128xf32, #tpu.memory_space<vmem>>, vector<1x16xf32>,
      %swap3A_332 = vector.shape_cast %swap3A_331 : vector<1x16xf32> to vector<16xf32>
      %swap3A_333 = vector.shape_cast %mul3A_328 : vector<16xf32> to vector<1x16xf32>
      tpu.vector_store %arg18[%swap3A_329, %swap3A_330], %swap3A_333 {strides = array<i32>} : memref<80x128xf32, #tpu.memory_space<vmem>>, vector<1x16xf32>,
      %get3A_334 = arith.index_cast %scan3A_289 : i32 to index
      %get3A_335 = arith.constant 64 : index
      %get3A_336 = tpu.vector_load %arg18[%get3A_334, %get3A_335] {strides = array<i32>} : memref<80x128xf32, #tpu.memory_space<vmem>>, vector<1x16xf32>,
      %get3A_337 = vector.shape_cast %get3A_336 : vector<1x16xf32> to vector<16xf32>
      %mul3A_338 = arith.mulf %get3A_337, %get3A_293 : vector<16xf32>
      %swap3A_339 = arith.index_cast %scan3A_289 : i32 to index
      %swap3A_340 = arith.constant 64 : index
      %swap3A_341 = tpu.vector_load %arg18[%swap3A_339, %swap3A_340] {strides = array<i32>} : memref<80x128xf32, #tpu.memory_space<vmem>>, vector<1x16xf32>,
      %swap3A_342 = vector.shape_cast %swap3A_341 : vector<1x16xf32> to vector<16xf32>
      %swap3A_343 = vector.shape_cast %mul3A_338 : vector<16xf32> to vector<1x16xf32>
      tpu.vector_store %arg18[%swap3A_339, %swap3A_340], %swap3A_343 {strides = array<i32>} : memref<80x128xf32, #tpu.memory_space<vmem>>, vector<1x16xf32>,
      %get3A_344 = arith.index_cast %scan3A_289 : i32 to index
      %get3A_345 = arith.constant 80 : index
      %get3A_346 = tpu.vector_load %arg18[%get3A_344, %get3A_345] {strides = array<i32>} : memref<80x128xf32, #tpu.memory_space<vmem>>, vector<1x16xf32>,
      %get3A_347 = vector.shape_cast %get3A_346 : vector<1x16xf32> to vector<16xf32>
      %mul3A_348 = arith.mulf %get3A_347, %get3A_293 : vector<16xf32>
      %swap3A_349 = arith.index_cast %scan3A_289 : i32 to index
      %swap3A_350 = arith.constant 80 : index
      %swap3A_351 = tpu.vector_load %arg18[%swap3A_349, %swap3A_350] {strides = array<i32>} : memref<80x128xf32, #tpu.memory_space<vmem>>, vector<1x16xf32>,
      %swap3A_352 = vector.shape_cast %swap3A_351 : vector<1x16xf32> to vector<16xf32>
      %swap3A_353 = vector.shape_cast %mul3A_348 : vector<16xf32> to vector<1x16xf32>
      tpu.vector_store %arg18[%swap3A_349, %swap3A_350], %swap3A_353 {strides = array<i32>} : memref<80x128xf32, #tpu.memory_space<vmem>>, vector<1x16xf32>,
      %scan3A_354 = arith.constant 1 : i32
      %add3A_355 = arith.constant 1 : i32
      %add3A_356 = arith.addi %while3A_99, %add3A_355 : i32
      %lt3A_357 = arith.cmpi slt, %add3A_356, %select_n3A_45 : i32
      %convert_element_type3A_358 = arith.extui %lt3A_357 : i1 to i32
      %cond3A_359 = arith.constant 0 : i32
      %cond3A_360 = arith.cmpi ne, %convert_element_type3A_358, %cond3A_359 : i32
      scf.if %cond3A_360 {
        %add3A_361 = arith.constant 3 : i32
        %add3A_362 = arith.addi %mul3A_101, %add3A_361 : i32
        %mul3A_363 = arith.constant 80 : i32
        %mul3A_364 = arith.muli %add3A_362, %mul3A_363 : i32
        %add3A_365 = arith.addi %mul3A_2, %mul3A_364 : i32
        %dma_start3A_366 = tpu.memref_slice %arg3[%add3A_365] : memref<160000xi32, #tpu.memory_space<hbm>> -> memref<80xi32, #tpu.memory_space<hbm>>
        %dma_start3A_367 = tpu.memref_slice %arg3[%add3A_365] : memref<160000xi32, #tpu.memory_space<hbm>> -> memref<80xi32, #tpu.memory_space<hbm>>
        tpu.enqueue_dma source(%dma_start3A_367 : memref<80xi32, #tpu.memory_space<hbm>>) target(%arg10 : memref<80xi32, #tpu.memory_space<vmem>>) target_semaphore(%arg20 : memref<!tpu.dma_semaphore, #tpu.memory_space<semaphore_mem>>)
        %dma_start3A_368 = tpu.memref_slice %arg4[%add3A_365] : memref<160000xi32, #tpu.memory_space<hbm>> -> memref<80xi32, #tpu.memory_space<hbm>>
        %dma_start3A_369 = tpu.memref_slice %arg4[%add3A_365] : memref<160000xi32, #tpu.memory_space<hbm>> -> memref<80xi32, #tpu.memory_space<hbm>>
        tpu.enqueue_dma source(%dma_start3A_369 : memref<80xi32, #tpu.memory_space<hbm>>) target(%arg12 : memref<80xi32, #tpu.memory_space<vmem>>) target_semaphore(%arg20 : memref<!tpu.dma_semaphore, #tpu.memory_space<semaphore_mem>>)
        %dma_start3A_370 = arith.constant 0 : i32
        %dma_start3A_371 = tpu.memref_slice %arg5[%add3A_365, %dma_start3A_370] : memref<160000x16xf32, #tpu.memory_space<hbm>> -> memref<80x16xf32, #tpu.memory_space<hbm>>
        %dma_start3A_372 = arith.constant 0 : i32
        %dma_start3A_373 = tpu.memref_slice %arg5[%add3A_365, %dma_start3A_372] : memref<160000x16xf32, #tpu.memory_space<hbm>> -> memref<80x16xf32, #tpu.memory_space<hbm>>
        tpu.enqueue_dma source(%dma_start3A_373 : memref<80x16xf32, #tpu.memory_space<hbm>>) target(%arg16 : memref<80x16xf32, #tpu.memory_space<vmem>>) target_semaphore(%arg22 : memref<!tpu.dma_semaphore, #tpu.memory_space<semaphore_mem>>)
      } else {
      }
    }
    %barrier3A_91 = arith.constant 0 : index
    tpu.barrier barrier_id(%barrier3A_91)
    %mul3A_92 = arith.constant 10112 : i32
    %mul3A_93 = arith.muli %arg0, %mul3A_92 : i32
    %mul3A_94 = arith.constant 632 : i32
    %mul3A_95 = arith.muli %arg1, %mul3A_94 : i32
    %add3A_96 = arith.addi %mul3A_93, %mul3A_95 : i32
    %mul3A_97 = arith.constant 632 : i32
    %mul3A_98 = arith.muli %arg1, %mul3A_97 : i32
    "tpu.region"() ({
      %run_scoped3A = tpu.sem_alloc : memref<!tpu.dma_semaphore, #tpu.memory_space<semaphore_mem>>
      %dma_start3A_99 = arith.constant 0 : i32
      %dma_start3A_100 = tpu.memref_slice %arg7[%add3A_96, %dma_start3A_99] : memref<20224x128xf32, #tpu.memory_space<hbm>> -> memref<632x128xf32, #tpu.memory_space<hbm>>
      %dma_start3A_101 = arith.constant 0 : i32
      %dma_start3A_102 = tpu.memref_slice %arg8[%mul3A_98, %dma_start3A_101] : memref<10112x128xf32, #tpu.memory_space<vmem_shared>> -> memref<632x128xf32, #tpu.memory_space<vmem_shared>>
      tpu.enqueue_dma source(%dma_start3A_102 : memref<632x128xf32, #tpu.memory_space<vmem_shared>>) target(%dma_start3A_100 : memref<632x128xf32, #tpu.memory_space<hbm>>) target_semaphore(%run_scoped3A : memref<!tpu.dma_semaphore, #tpu.memory_space<semaphore_mem>>)
      %dma_wait3A_103 = arith.constant 0 : i32
      %dma_wait3A_104 = tpu.memref_slice %arg7[%add3A_96, %dma_wait3A_103] : memref<20224x128xf32, #tpu.memory_space<hbm>> -> memref<632x128xf32, #tpu.memory_space<hbm>>
      %dma_wait3A_105 = arith.constant 0 : i32
      %dma_wait3A_106 = tpu.memref_slice %arg8[%mul3A_98, %dma_wait3A_105] : memref<10112x128xf32, #tpu.memory_space<vmem_shared>> -> memref<632x128xf32, #tpu.memory_space<vmem_shared>>
      tpu.wait_dma2 semaphore(%run_scoped3A : memref<!tpu.dma_semaphore, #tpu.memory_space<semaphore_mem>>) src(%dma_wait3A_106 : memref<632x128xf32, #tpu.memory_space<vmem_shared>>) dst(%dma_wait3A_104 : memref<632x128xf32, #tpu.memory_space<hbm>>)
      tpu.yield
    }) : () -> ()
    return
  }
}

module attributes {stable_mosaic.version = 14 : i64} {
  func.func @body(%arg0: i32, %arg1: memref<1000x500xf32, #tpu.memory_space<vmem>>, %arg2: memref<500x128xf32, #tpu.memory_space<vmem>>, %arg3: memref<1x128xf32, #tpu.memory_space<vmem>>, %arg4: memref<128x128xf32, #tpu.memory_space<vmem>>, %arg5: memref<13x16000xf32, #tpu.memory_space<vmem>>, %arg6: memref<1000x128xf32, #tpu.memory_space<vmem>>, %arg7: memref<16000x16xf32, #tpu.memory_space<vmem>>) attributes {dimension_semantics = [#tpu.dimension_semantics<arbitrary>], iteration_bounds = array<i64: 10>, scalar_prefetch = 0 : i64, scratch_operands = 0 : i64, tpu.core_type = #tpu.core_type<tc>, window_params = [{transform_indices = @transform_0, window_bounds = array<i64: 1000, 500>}, {pipeline_mode = #tpu.pipeline_mode<synchronous>, transform_indices = @transform_1, window_bounds = array<i64: 500, 128>}, {pipeline_mode = #tpu.pipeline_mode<synchronous>, transform_indices = @transform_2, window_bounds = array<i64: 1, 128>}, {pipeline_mode = #tpu.pipeline_mode<synchronous>, transform_indices = @transform_3, window_bounds = array<i64: 128, 128>}, {transform_indices = @transform_4, window_bounds = array<i64: 13, 16000>}, {transform_indices = @transform_5, window_bounds = array<i64: 1000, 128>}, {transform_indices = @transform_6, window_bounds = array<i64: 16000, 16>}]} {
    %get3A = arith.constant 0 : index
    %get3A_0 = arith.constant 0 : index
    %get3A_1 = vector.load %arg1[%get3A, %get3A_0] : memref<1000x500xf32, #tpu.memory_space<vmem>>, vector<1000x500xf32>
    %get3A_2 = arith.constant 0 : index
    %get3A_3 = arith.constant 0 : index
    %get3A_4 = vector.load %arg2[%get3A_2, %get3A_3] : memref<500x128xf32, #tpu.memory_space<vmem>>, vector<500x128xf32>
    %dot_general3A = arith.constant dense<0.000000e+00> : vector<1000x128xf32>
    %dot_general3A_5 = tpu.matmul %get3A_1, %get3A_4, %dot_general3A {dimension_numbers = #tpu.dot_dimension_numbers<[1], [0], [0], [1], [0, 0, 1, 1], [], []>, transpose_lhs_hint = false} : vector<1000x500xf32>, vector<500x128xf32>, vector<1000x128xf32> -> vector<1000x128xf32>
    %get3A_6 = arith.constant 0 : index
    %get3A_7 = arith.constant 0 : index
    %get3A_8 = vector.load %arg3[%get3A_6, %get3A_7] : memref<1x128xf32, #tpu.memory_space<vmem>>, vector<1x128xf32>
    %add3A = vector.broadcast %get3A_8 : vector<1x128xf32> to vector<1000x128xf32>
    %add3A_9 = arith.addf %dot_general3A_5, %add3A : vector<1000x128xf32>
    %get3A_10 = arith.constant 0 : index
    %get3A_11 = arith.constant 0 : index
    %get3A_12 = vector.load %arg4[%get3A_10, %get3A_11] : memref<128x128xf32, #tpu.memory_space<vmem>>, vector<128x128xf32>
    %dot_general3A_13 = arith.constant dense<0.000000e+00> : vector<1000x128xf32>
    %dot_general3A_14 = tpu.matmul %add3A_9, %get3A_12, %dot_general3A_13 {dimension_numbers = #tpu.dot_dimension_numbers<[1], [0], [0], [1], [0, 0, 1, 1], [], []>, transpose_lhs_hint = false} : vector<1000x128xf32>, vector<128x128xf32>, vector<1000x128xf32> -> vector<1000x128xf32>
    %swap3A = arith.constant 0 : index
    %swap3A_15 = arith.constant 0 : index
    %swap3A_16 = vector.load %arg6[%swap3A, %swap3A_15] : memref<1000x128xf32, #tpu.memory_space<vmem>>, vector<1000x128xf32>
    tpu.vector_store %arg6[%swap3A, %swap3A_15], %dot_general3A_14 {strides = array<i32>} : memref<1000x128xf32, #tpu.memory_space<vmem>>, vector<1000x128xf32>,
    %get3A_17 = arith.constant 0 : index
    %get3A_18 = arith.constant 0 : index
    %get3A_19 = vector.load %arg5[%get3A_17, %get3A_18] : memref<13x16000xf32, #tpu.memory_space<vmem>>, vector<13x16000xf32>
    %jit3A = arith.constant 0 : i32
    %convert_element_type3A = arith.sitofp %jit3A : i32 to f32
    %pad3A = vector.broadcast %convert_element_type3A : f32 to vector<3x16000xf32>
    %pad3A_20 = tpu.concatenate %get3A_19, %pad3A in 0 : vector<13x16000xf32>, vector<3x16000xf32> -> vector<16x16000xf32>
    %transpose3A = tpu.transpose %pad3A_20, [1, 0] : vector<16x16000xf32> -> vector<16000x16xf32>
    %swap3A_21 = arith.constant 0 : index
    %swap3A_22 = arith.constant 0 : index
    %swap3A_23 = vector.load %arg7[%swap3A_21, %swap3A_22] : memref<16000x16xf32, #tpu.memory_space<vmem>>, vector<16000x16xf32>
    tpu.vector_store %arg7[%swap3A_21, %swap3A_22], %transpose3A {strides = array<i32>} : memref<16000x16xf32, #tpu.memory_space<vmem>>, vector<16000x16xf32>,
    return
  }
  func.func @transform_0(%arg0: i32) -> (i32, i32) {
    %c0_i32 = arith.constant 0 : i32
    %c0_i32_0 = arith.constant 0 : i32
    return %arg0, %c0_i32 : i32, i32
  }
  func.func @transform_1(%arg0: i32) -> (i32, i32) {
    %c0_i32 = arith.constant 0 : i32
    %c0_i32_0 = arith.constant 0 : i32
    %c0_i32_1 = arith.constant 0 : i32
    return %c0_i32, %c0_i32_0 : i32, i32
  }
  func.func @transform_2(%arg0: i32) -> (i32, i32) {
    %c0_i32 = arith.constant 0 : i32
    %c0_i32_0 = arith.constant 0 : i32
    %c0_i32_1 = arith.constant 0 : i32
    return %c0_i32, %c0_i32_0 : i32, i32
  }
  func.func @transform_3(%arg0: i32) -> (i32, i32) {
    %c0_i32 = arith.constant 0 : i32
    %c0_i32_0 = arith.constant 0 : i32
    %c0_i32_1 = arith.constant 0 : i32
    return %c0_i32, %c0_i32_0 : i32, i32
  }
  func.func @transform_4(%arg0: i32) -> (i32, i32) {
    %c0_i32 = arith.constant 0 : i32
    %c0_i32_0 = arith.constant 0 : i32
    return %c0_i32, %arg0 : i32, i32
  }
  func.func @transform_5(%arg0: i32) -> (i32, i32) {
    %c0_i32 = arith.constant 0 : i32
    %c0_i32_0 = arith.constant 0 : i32
    return %arg0, %c0_i32 : i32, i32
  }
  func.func @transform_6(%arg0: i32) -> (i32, i32) {
    %c0_i32 = arith.constant 0 : i32
    %c0_i32_0 = arith.constant 0 : i32
    return %arg0, %c0_i32 : i32, i32
  }
}

module attributes {stable_mosaic.version = 14 : i64} {
  func.func @body(%arg0: i32, %arg1: memref<632x128xf32, #tpu.memory_space<vmem>>, %arg2: memref<632x128xf32, #tpu.memory_space<vmem>>, %arg3: memref<1x128xf32, #tpu.memory_space<vmem>>, %arg4: memref<128x16xf32, #tpu.memory_space<vmem>>, %arg5: memref<16x128xf32, #tpu.memory_space<vmem>>, %arg6: memref<128x7xf32, #tpu.memory_space<vmem>>, %arg7: memref<1x7xf32, #tpu.memory_space<vmem>>, %arg8: memref<632x7xf32, #tpu.memory_space<vmem>>) attributes {dimension_semantics = [#tpu.dimension_semantics<arbitrary>], iteration_bounds = array<i64: 16>, scalar_prefetch = 0 : i64, scratch_operands = 0 : i64, tpu.core_type = #tpu.core_type<tc>, window_params = [{transform_indices = @transform_0, window_bounds = array<i64: 632, 128>}, {transform_indices = @transform_1, window_bounds = array<i64: 632, 128>}, {pipeline_mode = #tpu.pipeline_mode<synchronous>, transform_indices = @transform_2, window_bounds = array<i64: 1, 128>}, {pipeline_mode = #tpu.pipeline_mode<synchronous>, transform_indices = @transform_3, window_bounds = array<i64: 128, 16>}, {pipeline_mode = #tpu.pipeline_mode<synchronous>, transform_indices = @transform_4, window_bounds = array<i64: 16, 128>}, {pipeline_mode = #tpu.pipeline_mode<synchronous>, transform_indices = @transform_5, window_bounds = array<i64: 128, 7>}, {pipeline_mode = #tpu.pipeline_mode<synchronous>, transform_indices = @transform_6, window_bounds = array<i64: 1, 7>}, {transform_indices = @transform_7, window_bounds = array<i64: 632, 7>}]} {
    %get3A = arith.constant 0 : index
    %get3A_0 = arith.constant 0 : index
    %get3A_1 = vector.load %arg1[%get3A, %get3A_0] : memref<632x128xf32, #tpu.memory_space<vmem>>, vector<632x128xf32>
    %get3A_2 = arith.constant 0 : index
    %get3A_3 = arith.constant 0 : index
    %get3A_4 = vector.load %arg2[%get3A_2, %get3A_3] : memref<632x128xf32, #tpu.memory_space<vmem>>, vector<632x128xf32>
    %add3A = arith.addf %get3A_1, %get3A_4 : vector<632x128xf32>
    %get3A_5 = arith.constant 0 : index
    %get3A_6 = arith.constant 0 : index
    %get3A_7 = vector.load %arg3[%get3A_5, %get3A_6] : memref<1x128xf32, #tpu.memory_space<vmem>>, vector<1x128xf32>
    %mul3A = vector.broadcast %get3A_7 : vector<1x128xf32> to vector<632x128xf32>
    %mul3A_8 = arith.mulf %add3A, %mul3A : vector<632x128xf32>
    %get3A_9 = arith.constant 0 : index
    %get3A_10 = arith.constant 0 : index
    %get3A_11 = vector.load %arg4[%get3A_9, %get3A_10] : memref<128x16xf32, #tpu.memory_space<vmem>>, vector<128x16xf32>
    %dot_general3A = arith.constant dense<0.000000e+00> : vector<632x16xf32>
    %dot_general3A_12 = tpu.matmul %mul3A_8, %get3A_11, %dot_general3A {dimension_numbers = #tpu.dot_dimension_numbers<[1], [0], [0], [1], [0, 0, 1, 1], [], []>, transpose_lhs_hint = false} : vector<632x128xf32>, vector<128x16xf32>, vector<632x16xf32> -> vector<632x16xf32>
    %logistic3A = arith.negf %dot_general3A_12 : vector<632x16xf32>
    %logistic3A_13 = math.exp %logistic3A : vector<632x16xf32>
    %logistic3A_14 = arith.constant 1.000000e+00 : f32
    %logistic3A_15 = vector.broadcast %logistic3A_14 : f32 to vector<632x16xf32>
    %logistic3A_16 = arith.addf %logistic3A_15, %logistic3A_13 : vector<632x16xf32>
    %logistic3A_17 = arith.divf %logistic3A_15, %logistic3A_16 : vector<632x16xf32>
    %get3A_18 = arith.constant 0 : index
    %get3A_19 = arith.constant 0 : index
    %get3A_20 = vector.load %arg5[%get3A_18, %get3A_19] : memref<16x128xf32, #tpu.memory_space<vmem>>, vector<16x128xf32>
    %dot_general3A_21 = arith.constant dense<0.000000e+00> : vector<632x128xf32>
    %dot_general3A_22 = tpu.matmul %logistic3A_17, %get3A_20, %dot_general3A_21 {dimension_numbers = #tpu.dot_dimension_numbers<[1], [0], [0], [1], [0, 0, 1, 1], [], []>, transpose_lhs_hint = false} : vector<632x16xf32>, vector<16x128xf32>, vector<632x128xf32> -> vector<632x128xf32>
    %mul3A_23 = arith.mulf %add3A, %dot_general3A_22 : vector<632x128xf32>
    %max3A = arith.constant 0.000000e+00 : f32
    %max3A_24 = vector.broadcast %max3A : f32 to vector<632x128xf32>
    %max3A_25 = arith.maximumf %mul3A_23, %max3A_24 : vector<632x128xf32>
    %get3A_26 = arith.constant 0 : index
    %get3A_27 = arith.constant 0 : index
    %get3A_28 = vector.load %arg6[%get3A_26, %get3A_27] : memref<128x7xf32, #tpu.memory_space<vmem>>, vector<128x7xf32>
    %dot_general3A_29 = arith.constant dense<0.000000e+00> : vector<632x7xf32>
    %dot_general3A_30 = tpu.matmul %max3A_25, %get3A_28, %dot_general3A_29 {dimension_numbers = #tpu.dot_dimension_numbers<[1], [0], [0], [1], [0, 0, 1, 1], [], []>, transpose_lhs_hint = false} : vector<632x128xf32>, vector<128x7xf32>, vector<632x7xf32> -> vector<632x7xf32>
    %get3A_31 = arith.constant 0 : index
    %get3A_32 = arith.constant 0 : index
    %get3A_33 = vector.load %arg7[%get3A_31, %get3A_32] : memref<1x7xf32, #tpu.memory_space<vmem>>, vector<1x7xf32>
    %add3A_34 = vector.broadcast %get3A_33 : vector<1x7xf32> to vector<632x7xf32>
    %add3A_35 = arith.addf %dot_general3A_30, %add3A_34 : vector<632x7xf32>
    %swap3A = arith.constant 0 : index
    %swap3A_36 = arith.constant 0 : index
    %swap3A_37 = vector.load %arg8[%swap3A, %swap3A_36] : memref<632x7xf32, #tpu.memory_space<vmem>>, vector<632x7xf32>
    tpu.vector_store %arg8[%swap3A, %swap3A_36], %add3A_35 {strides = array<i32>} : memref<632x7xf32, #tpu.memory_space<vmem>>, vector<632x7xf32>,
    return
  }
  func.func @transform_0(%arg0: i32) -> (i32, i32) {
    %c0_i32 = arith.constant 0 : i32
    %c0_i32_0 = arith.constant 0 : i32
    return %arg0, %c0_i32 : i32, i32
  }
  func.func @transform_1(%arg0: i32) -> (i32, i32) {
    %add3A = arith.constant 16 : i32
    %add3A_0 = arith.addi %arg0, %add3A : i32
    %c0_i32 = arith.constant 0 : i32
    %c0_i32_1 = arith.constant 0 : i32
    return %add3A_0, %c0_i32 : i32, i32
  }
  func.func @transform_2(%arg0: i32) -> (i32, i32) {
    %c0_i32 = arith.constant 0 : i32
    %c0_i32_0 = arith.constant 0 : i32
    %c0_i32_1 = arith.constant 0 : i32
    return %c0_i32, %c0_i32_0 : i32, i32
  }
  func.func @transform_3(%arg0: i32) -> (i32, i32) {
    %c0_i32 = arith.constant 0 : i32
    %c0_i32_0 = arith.constant 0 : i32
    %c0_i32_1 = arith.constant 0 : i32
    return %c0_i32, %c0_i32_0 : i32, i32
  }
  func.func @transform_4(%arg0: i32) -> (i32, i32) {
    %c0_i32 = arith.constant 0 : i32
    %c0_i32_0 = arith.constant 0 : i32
    %c0_i32_1 = arith.constant 0 : i32
    return %c0_i32, %c0_i32_0 : i32, i32
  }
  func.func @transform_5(%arg0: i32) -> (i32, i32) {
    %c0_i32 = arith.constant 0 : i32
    %c0_i32_0 = arith.constant 0 : i32
    %c0_i32_1 = arith.constant 0 : i32
    return %c0_i32, %c0_i32_0 : i32, i32
  }
  func.func @transform_6(%arg0: i32) -> (i32, i32) {
    %c0_i32 = arith.constant 0 : i32
    %c0_i32_0 = arith.constant 0 : i32
    %c0_i32_1 = arith.constant 0 : i32
    return %c0_i32, %c0_i32_0 : i32, i32
  }
  func.func @transform_7(%arg0: i32) -> (i32, i32) {
    %c0_i32 = arith.constant 0 : i32
    %c0_i32_0 = arith.constant 0 : i32
    return %arg0, %c0_i32 : i32, i32
  }
}

</mosaic_0001>

<sc_bundles>
// kernel: kernel.5.cloned.1.call-start
scs
__scs_entry_jumppad:
0x0: {  	(pc) =	sbr.rel $0x88, $3  }
0x1: {  	(tag) =	ssettag $0x0;
	lr =	simm.s32 $0x1  }
0x2: {  	[smem:$0x3F98] =	sst lr;
	_ =	strace $0xD0000000  }
0x3: {  	_ = 	snop  }
0x4: {  	_ = 	snop  }
0x5: {  	_ = 	snop  }
0x6: {  	_ = 	snop  }
0x7: {  	_ = 	snop  }
__scs_overlays_trampoline_lowered:
0x8: {  	[smem:$0x3FA7] =	sst s0  }
0x9: {  	[smem:$0x3FA8] =	sst s1  }
0xa: {  	[smem:$0x3FA9] =	sst s2  }
0xb: {  	[smem:$0x3FAA] =	sst s3  }
0xc: {  	[smem:$0x3FAB] =	sst s4  }
0xd: {  	[smem:$0x3FAC] =	sst s5  }
0xe: {  	[smem:$0x3FAD] =	sst s6  }
0xf: {  	[smem:$0x3FAE] =	sst s7  }
0x10: {  	[smem:$0x3FAF] =	sst s8  }
0x11: {  	[smem:$0x3FB0] =	sst s9;
	s0 =	simm.s32 @!p0 $0x0  }
0x12: {  	s1 =	sld [smem:$0x3F96];
	s0 =	simm.s32 @p0 $0x1  }
0x13: {  	[smem:$0x3FB1] =	sst s0;
	s0 =	simm.s32 @!p1 $0x0  }
0x14: {  	s2 =	sld [smem:$0x3F95];
	s0 =	simm.s32 @p1 $0x1  }
0x15: {  	[smem:$0x3FB2] =	sst s0;
	s0 =	simm.s32 @!p2 $0x0  }
0x16: {  	s3 =	sld [smem:$0x3FDB];
	s0 =	simm.s32 @p2 $0x1  }
0x17: {  	s4 =	simm.s32 $0x1BF5;
	[smem:$0x3FB4] =	sst s0  }
0x18: {  	s0 =	sld [smem:$0x3F97];
	_ =	swait.ge [sflag:s4], $0x0  }
0x19: {  	s7 =	sld [smem:$0x3F98]  }
0x1a: {  	s8 =	sadd.s32 $0xFFFFE003, lr  }
0x1b: {  	s9 =	sadd.s32 $0xFFFFFEF7, lr;
	s5 =	simm.s32 $0xFFFFFFFF;
	p2 =	slt.u32 s8, $0xFFFFF086  }
0x1c: {  	p1 =	slt.u32 s9, $0xF7A;
	s5 =	simm.s32 @!p2 $0x0  }
0x1d: {  	s5 =	simm.s32 @p1 $0x1;
	p0 =	seq.s32 s7, s2  }
0x1e: {  	s7 =	smul.u32 @!p0 $0xF7A, s2;
	p2 =	seq.s32 @!p0 s5, $0x0  }
0x1f: {  	s9 =	smul.u32 $0xF7A, s1;
	s8 =	simm.s32 @!p0 $0x1BF5;
	p2 =	por !p2, p0  }
0x20: {  	[sflag:s8] =	ssyncset.s32 @!p0 $0xFFFFF086;
	s6 =	sadd.s32 @!p0 s3, s7;
	s7 =	simm.s32 @!p0 $0x108  }
0x21: {  	s3 =	sadd.s32 s3, s9;
	s6 =	sadd.s32 @!p0 $0x88, s6;
	s7 =	simm.s32 @p2 $0x1082  }
0x22: {  	[simem:s7], [sflag:s8] =	dma.local @!p0 [hbm:s6], $0xF7A  }
0x23: {  	s9 =	sor.u32 $0xD0000000, s2;
	s6 =	simm.s32 $0x108;
	_ =	swait.ge @!p0 [sflag:s8], $0x0  }
0x24: {  	s3 =	sadd.s32 $0x88, s3;
	s6 =	simm.s32 @!p1 $0x1082;
	[sflag:s4] =	ssyncset.s32 $0xFFFFF086  }
0x25: {  	[simem:s6], [sflag:s4] =	dma.local [hbm:s3], $0xF7A  }
0x26: {  	[smem:$0x3F98] =	sst s1;
	(tag) =	ssettag s2;
	_ =	strace s9  }
0x27: {  	s1 =	sld [smem:$0x3FA8]  }
0x28: {  	s2 =	sld [smem:$0x3FA9]  }
0x29: {  	s4 =	sld [smem:$0x3FAB]  }
0x2a: {  	p0 =	seq.s32 s5, $0x0;
	s5 =	sld [smem:$0x3FAC]  }
0x2b: {  	s6 =	sld [smem:$0x3FAD]  }
0x2c: {  	s7 =	sld [smem:$0x3FAE]  }
0x2d: {  	s3 =	simm.s32 $0x108;
	s8 =	sld [smem:$0x3FAF]  }
0x2e: {  	s3 =	simm.s32 @!p0 $0x1082;
	s9 =	sld [smem:$0x3FB0]  }
0x2f: {  	lr =	sadd.s32 s0, s3;
	s0 =	sld [smem:$0x3FA7]  }
0x30: {  	s3 =	sld [smem:$0x3FAA]  }
0x31: {  	[smem:$0x3FB3] =	sst s10  }
0x32: {  	s10 =	sld [smem:$0x3FB1];
	_ =	sdelay $0x3  }
0x33: {  	p0 =	seq.s32 s10, $0x1;
	s10 =	sld [smem:$0x3FB3];
	_ =	sdelay $0x3  }
0x34: {  	[smem:$0x3FB3] =	sst s10  }
0x35: {  	s10 =	sld [smem:$0x3FB2];
	_ =	sdelay $0x3  }
0x36: {  	p1 =	seq.s32 s10, $0x1;
	s10 =	sld [smem:$0x3FB3];
	_ =	sdelay $0x3  }
0x37: {  	[smem:$0x3FB3] =	sst s10  }
0x38: {  	s10 =	sld [smem:$0x3FB4]  }
0x39: {  	_ = 	snop;
	(pc) =	sbr.ind lr, $3  }
0x3a: {  	_ = 	snop  }
0x3b: {  	_ = 	snop  }
0x3c: {  	p2 =	seq.s32 s10, $0x1;
	s10 =	sld [smem:$0x3FB3]  }
0x3d: {  	_ =	shalt  }
0x3e: {  	_ =	shalt  }
0x3f: {  	_ =	shalt  }
0x40: {  	_ =	shalt  }
0x41: {  	_ =	shalt  }
0x42: {  	_ =	shalt  }
0x43: {  	_ =	shalt  }
0x44: {  	_ =	shalt  }
0x45: {  	_ =	shalt  }
0x46: {  	_ =	shalt  }
0x47: {  	_ =	shalt  }
0x48: {  	_ =	shalt  }
0x49: {  	_ =	shalt  }
0x4a: {  	_ =	shalt  }
0x4b: {  	_ =	shalt  }
0x4c: {  	_ =	shalt  }
0x4d: {  	_ =	shalt  }
0x4e: {  	_ =	shalt  }
0x4f: {  	_ =	shalt  }
0x50: {  	_ =	shalt  }
0x51: {  	_ =	shalt  }
0x52: {  	_ =	shalt  }
0x53: {  	_ =	shalt  }
0x54: {  	_ =	shalt  }
0x55: {  	_ =	shalt  }
0x56: {  	_ =	shalt  }
0x57: {  	_ =	shalt  }
0x58: {  	_ =	shalt  }
0x59: {  	_ =	shalt  }
0x5a: {  	_ =	shalt  }
0x5b: {  	_ =	shalt  }
0x5c: {  	_ =	shalt  }
0x5d: {  	_ =	shalt  }
0x5e: {  	_ =	shalt  }
0x5f: {  	_ =	shalt  }
0x60: {  	_ =	shalt  }
0x61: {  	_ =	shalt  }
0x62: {  	_ =	shalt  }
0x63: {  	_ =	shalt  }
0x64: {  	_ =	shalt  }
0x65: {  	_ =	shalt  }
0x66: {  	_ =	shalt  }
0x67: {  	_ =	shalt  }
0x68: {  	_ =	shalt  }
0x69: {  	_ =	shalt  }
0x6a: {  	_ =	shalt  }
0x6b: {  	_ =	shalt  }
0x6c: {  	_ =	shalt  }
0x6d: {  	_ =	shalt  }
0x6e: {  	_ =	shalt  }
0x6f: {  	_ =	shalt  }
0x70: {  	_ =	shalt  }
0x71: {  	_ =	shalt  }
0x72: {  	_ =	shalt  }
0x73: {  	_ =	shalt  }
0x74: {  	_ =	shalt  }
0x75: {  	_ =	shalt  }
0x76: {  	_ =	shalt  }
0x77: {  	_ =	shalt  }
0x78: {  	_ =	shalt  }
0x79: {  	_ =	shalt  }
0x7a: {  	_ =	shalt  }
0x7b: {  	_ =	shalt  }
0x7c: {  	_ =	shalt  }
0x7d: {  	_ =	shalt  }
0x7e: {  	_ =	shalt  }
0x7f: {  	_ =	shalt  }
0x80: {  	_ =	shalt  }
0x81: {  	_ =	shalt  }
0x82: {  	_ =	shalt  }
0x83: {  	_ =	shalt  }
0x84: {  	_ =	shalt  }
0x85: {  	_ =	shalt  }
0x86: {  	_ =	shalt  }
0x87: {  	_ =	shalt  }
.Lfunc_end0:
.L_simem_size_0:
called_computation_lowered:
.L_overlay_start_0:
0x88: {  	s2 =	sld [smem:$0x3FD9]  }
0x89: {  	s3 =	sld [smem:$0x3FFE];
	_ =	sdelay $0x1  }
0x8a: {  	s1 =	srdreg.scid  }
0x8b: {  	s0 =	sand.u32 $0x1, s1  }
0x8c: {  	s17 =	sshll.u32 s0, $0xA;
	s2 =	sadd.s32 s3, s2  }
0x8d: {  	s2 =	sadd.s32 s2, s17  }
0x8e: {  	[smem:$0x3FBF] =	sst s2  }
0x8f: {  	_ = 	snop  }
0x90: {  	s2 =	sld [smem:$0x3FD0];
	(tm) =	ssettm $0x1  }
0x91: {  	s18 =	sld [smem:$0x3FFB];
	_ =	sdelay $0x3  }
0x92: {  	_ =	strace s18  }
0x93: {  	s3 =	sld [smem:$0x3FFC];
	_ =	sdelay $0x3  }
0x94: {  	_ =	strace s3  }
0x95: {  	s3 =	sld [smem:$0x3FFD];
	_ =	sdelay $0x3  }
0x96: {  	_ =	strace s3  }
0x97: {  	_ =	strace $0x8FFFFFFF  }
0x98: {  	s19 =	sld [smem:$0x3FDB];
	_ =	sdelay $0x1  }
0x99: {  	s4 =	simm.s32 $_scs_section_size  }
0x9a: {  	s5 =	simm.s32 $_size__tile_overlayer_lowered;
	s6 =	simm.s32 $_tile_overlayer_lowered  }
0x9b: {  	s22 =	simm.s32 $0x1BFF;
	s21 =	sshll.u32 s6, $0x1;
	s3 =	sadd.s32 s4, s19  }
0x9c: {  	s7 =	simm.s32 $0x0;
	s20 =	sshll.u32 s5, $0x1;
	s5 =	sadd.s32 s21, s3  }
0x9d: {  	[timem:s7], [sflag:s22] =	dma.local [hbm:s5], s20  }
0x9e: {  	_ =	swait.ge [sflag:s22], s20  }
0x9f: {  	s4 =	ssub.s32 $0x0, s20;
	[sflag:s22] =	ssyncset.done $0x0  }
0xa0: {  	[sflag:s22] =	ssyncadd.s32 s4;
	_ =	sdelay $0x1  }
0xa1: {  	s23 =	simm.s32 $0x1B8B  }
0xa2: {  	_ =	swait.ge [sflag:s23], $0x1  }
0xa3: {  	[sflag:s23] =	ssyncset.done $0x0  }
0xa4: {  	s25 =	simm.s32 $0x1B8E;
	s24 =	sld [smem:$0x3FFE];
	[sflag:s23] =	ssyncadd.s32 $0xFFFFFFFF  }
0xa5: {  	s26 =	simm.s32 $execute0_lowered;
	[smem:$0x3FD2] =	sst s25  }
0xa6: {  	s5 =	sshll.u32 s26, $0x1;
	_ =	strace $0x80000046;
	[dreg:$0x1] =	wrdreg $0xFFFFFFFF  }
0xa7: {  	s28 =	simm.s32 $_size_execute0_lowered;
	s3 =	sadd.s32 s3, s5;
	[dreg:$0x0] =	wrdreg $0x0  }
0xa8: {  	s5 =	sshll.u32 s28, $0x1;
	[dreg:$0x2] =	wrdreg s3  }
0xa9: {  	[dreg:$0x3] =	wrdreg s5  }
0xaa: {  	[dreg:$0x4] =	wrdreg $0xC0  }
0xab: {  	_ =	task [dreg:s7], $0x5FFFF  }
0xac: {  	[dreg:$0x1] =	wrdreg $0xFFFFFFFF  }
0xad: {  	[dreg:$0x0] =	wrdreg $0x60  }
0xae: {  	[dreg:$0x2] =	wrdreg s24  }
0xaf: {  	[dreg:$0x3] =	wrdreg s2  }
0xb0: {  	[dreg:$0x4] =	wrdreg $0x0  }
0xb1: {  	[dreg:$0x5] =	wrdreg $0x9  }
0xb2: {  	_ =	task.clear_ibuf [dreg:s7], $0x6FFFF;
	_ =	strace $0x90000046  }
0xb3: {  	s29 =	simm.s32 $0x9;
	_ =	strace $0x80000048  }
0xb4: {  	_ =	swait.ge [sflag:s29], $0x1  }
0xb5: {  	[sflag:s29] =	ssyncadd.s32 $0xFFFFFFFF  }
0xb6: {  	_ =	strace $0x90000048  }
0xb7: {  	_ =	sfence  }
0xb8: {  	s30 =	sld [smem:$0x0];
	_ =	sdelay $0x2  }
0xb9: {  	s31 =	sshll.u32 s1, $0xD;
	s1 =	sshrl.u32 s1, $0x2  }
0xba: {  	s3 =	sand.u32 $0x4000, s31;
	s1 =	sadd.s32 s1, s30  }
0xbb: {  	s0 =	sor.u32 s3, s0;
	s1 =	sshll.u32 s1, $0x11  }
0xbc: {  	s0 =	sor.u32 s1, s0  }
0xbd: {  	s0 =	sadd.s32 $0x8F2B, s0  }
0xbe: {  	[sflag:s0] =	ssyncadd.remote.s32 $0x1  }
0xbf: {  	_ =	sfence.sel $0xFFFF  }
0xc0: {  	[dreg:$0x0] =	wrdreg $0xFFFFFFFF;
	(pc) =	sbr.abs _section_cstart, $3  }
0xc1: {  	[dreg:$0x1] =	wrdreg $0xFFFFFFFF  }
0xc2: {  	_ =	task.clear_ibuf [dreg:s7], $0x2FFFF;
	_ =	strace $0x9FFFFFFF  }
0xc3: {  	(tm) =	ssettm $0x7FFFFFFF  }
tec
execute0_lowered:
.L_overlay_start_1:
0x0: {  	(tag) =	ssettag $0x1  }
0x1: {  	s14 =	stileid.u32  }
0x2: {  	s5 =	smul.u32 $0x2780, s14  }
0x3: {  	s10 =	smul.u32 $0x4F000, s14  }
0x4: {  	s0 =	srdreg.scid;
	s13 =	smul.u32 $0xFFFFD800, s14  }
0x5: {  	s1 =	rddreg [dreg:$0x0];
	s0 =	sand.u32 $0x1, s0;
	s22 =	smul.u32 $0x2800, s14  }
0x6: {  	s6 =	rddreg [dreg:$0x2];
	s7 =	smul.u32 $0x27800, s0  }
0x7: {  	s3 =	simm.s32 $0x0;
	s2 =	sshll.u32 s14, $0x1;
	s12 =	smul.u32 $0xFFFFEC00, s0  }
0x8: {  	[smem:$0x7FF] =	sst s3;
	s16 =	sadd.s32 $0xA2600, s1;
	s23 =	smul.u32 $0x1400, s0  }
0x9: {  	s2 =	sor.u32 s0, s2;
	s11 =	ssub.s32 $0x2, s0;
	s0 =	smul.u32 $0x14000, s0  }
0xa: {  	s19 =	sadd.s32 $0x9D600, s1;
	s15 =	sadd.s32 $0xA7600, s1;
	s8 =	smul.u32 $0x1400, s2  }
0xb: {  	_ =	strace $0x80000047;
	s30 =	sshrl.u32 s11, $0x1;
	s2 =	smul.u32 $0x14000, s2  }
0xc: {  	s5 =	sadd.s32 s5, s7;
	s17 =	ssub.s32 s11, s30;
	s11 =	sadd.s32 s13, s12  }
0xd: {  	s30 =	simm.s32 $0x1B700;
	s4 =	ssub.s32 $0x27100, s8;
	s12 =	sadd.s32 $0x27100, s11  }
0xe: {  	s13 =	sshrl.u32 s8, $0x3;
	s8 =	sor.u32 $0x50, s8;
	s2 =	sadd.s32 s15, s2  }
0xf: {  	[dreg:$0x4] =	wrdreg s30;
	s9 =	smin.u32 s4, $0x1400;
	s4 =	sadd.s32 $0x1200, s1  }
0x10: {  	s1 =	sadd.s32 s5, s1;
	s18 =	sadd.s32 s16, s13;
	s20 =	sshrl.u32 s8, $0x3  }
0x11: {  	[dreg:$0x8] =	wrdreg s2;
	s8 =	sshll.u32 s8, $0x4;
	s2 =	sadd.s32 s23, s22  }
0x12: {  	s22 =	simm.s32 $0x7;
	s23 =	simm.s32 $0x0;
	s9 =	smul.u32 $0xCCD, s9  }
0x13: {  	[dreg:$0x6] =	wrdreg s18;
	s18 =	smul.u32 $0x28000, s14;
	s21 =	sadd.s32 s16, s20  }
0x14: {  	s26 =	sor.u32 $0xF0, s2;
	s2 =	sor.u32 $0xA0, s2;
	[dreg:$0x9] =	wrdreg s21  }
0x15: {  	s28 =	sshrl.u32 s26, $0x3;
	s29 =	sshrl.u32 s2, $0x3;
	s26 =	simm.s32 $0x3  }
0x16: {  	s2 =	simm.s32 $0x4;
	s5 =	sshrl.u32 s9, $0x13;
	s9 =	sshrl.u32 s10, $0x2  }
0x17: {  	s10 =	sshll.u32 s14, $0x6;
	s14 =	sadd.s32 $0x28400, s1;
	s25 =	sadd.s32 s18, s15  }
0x18: {  	s18 =	sadd.s32 s28, s16;
	s1 =	simm.s32 $0x5;
	s6 =	sadd.s32 s9, s6  }
0x19: {  	s7 =	sor.u32 $0x1C07, s10;
	s9 =	sadd.s32 s19, s13;
	s13 =	sadd.s32 s15, s8  }
0x1a: {  	s15 =	smax.u32 s17, $0x1;
	[dreg:$0x5] =	wrdreg s6;
	s6 =	smin.u32 s12, $0x1400  }
0x1b: {  	s0 =	sadd.s32 s0, s25;
	s17 =	sadd.s32 s28, s19;
	s6 =	smul.u32 $0xCCD, s6  }
0x1c: {  	[dreg:$0x7] =	wrdreg s9;
	s9 =	sadd.s32 s19, s20;
	s31 =	sadd.s32 $0xF00, s0  }
0x1d: {  	s19 =	sadd.s32 s29, s19;
	s20 =	sadd.s32 s29, s16;
	s24 =	sshrl.u32 s6, $0x13  }
0x1e: {  	s0 =	simm.s32 $0x2;
	[dreg:$0xa] =	wrdreg s9;
	s21 =	smul.u32 $0x14, s24  }
.LBB2_1:
0x1f: {  	s6 =	rddreg [dreg:$0x5]  }
0x20: {  	s9 =	rddreg [dreg:$0x1];
	s24 =	sshrl.u32 s6, $0x3  }
0x21: {  	[spmem:s24], [sflag:s7] =	dma.local [hbm:s9], $0x2780  }
0x22: {  	_ =	swait.ge [sflag:s22], $0x2780  }
0x23: {  	[sflag:s22] =	ssyncset.done $0x0  }
0x24: {  	[sflag:s22] =	ssyncadd.s32 $0xFFFFD880  }
0x25: {  	[bflag:$0x0] =	sbarrier.arrive $0xFFFF  }
0x26: {  	s8 =	simm.s32 $0x13C00;
	s10 =	rddreg [dreg:$0x6]  }
0x27: {  	[tilespmem:s8], [sflag:$0x1] =	stream.linear.gather [hbm4b:s10+s3], $0x50, $0x38;
	[tilespmem:$0x1DF00] =	vst v63  }
0x28: {  	s12 =	simm.s32 $0x13D00;
	s11 =	rddreg [dreg:$0x7]  }
0x29: {  	[tilespmem:s12], [sflag:$0x1] =	stream.linear.gather [hbm4b:s11+s3], $0x50, $0x38;
	[tilespmem:$0x1DF00] =	vst v63  }
0x2a: {  	s25 =	simm.s32 $0x13F00;
	s29 =	simm.s32 $0x1;
	s16 =	rddreg [dreg:$0x8]  }
0x2b: {  	[tilespmem:s25], [sflag:$0x3] =	stream.linear.gather [hbm4b:s16+s3], $0x2800, $0x38;
	[tilespmem:$0x1DF00] =	vst v63  }
0x2c: {  	_ =	swait.ge [sflag:s29], $0x50  }
0x2d: {  	[sflag:s29] =	ssyncset.done $0x0  }
0x2e: {  	[sflag:s29] =	ssyncadd.s32 $0xFFFFFFB0  }
0x2f: {  	_ =	swait.ge [sflag:s29], $0x50  }
0x30: {  	[sflag:s29] =	ssyncset.done $0x0  }
0x31: {  	[sflag:s29] =	ssyncadd.s32 $0xFFFFFFB0  }
0x32: {  	_ =	swait.ge [sflag:s26], $0x2800  }
0x33: {  	[sflag:s26] =	ssyncset.done $0x0  }
0x34: {  	s8 =	simm.s32 $0x18F00;
	[sflag:s26] =	ssyncadd.s32 $0xFFFFD800  }
0x35: {  	[tilespmem:s8], [sflag:$0x5] =	stream.linear.gather [hbm4b:s4+s3], $0x2800, $0x38;
	[tilespmem:$0x1DF00] =	vst v63  }
0x36: {  	s10 =	simm.s32 $0x13C80;
	s9 =	rddreg [dreg:$0x9]  }
0x37: {  	[tilespmem:s10], [sflag:$0x2] =	stream.linear.gather [hbm4b:s9+s3], $0x50, $0x38;
	[tilespmem:$0x1DF00] =	vst v63  }
0x38: {  	s12 =	simm.s32 $0x13D80;
	s11 =	rddreg [dreg:$0xa]  }
0x39: {  	[tilespmem:s12], [sflag:$0x2] =	stream.linear.gather [hbm4b:s11+s3], $0x50, $0x38;
	[tilespmem:$0x1DF00] =	vst v63  }
0x3a: {  	s16 =	simm.s32 $0x16700  }
0x3b: {  	[tilespmem:s16], [sflag:$0x4] =	stream.linear.gather [hbm4b:s13+s3], $0x2800, $0x38;
	[tilespmem:$0x1DF00] =	vst v63  }
0x3c: {  	_ =	swait.ge [sflag:s1], $0x2800  }
0x3d: {  	[sflag:s1] =	ssyncset.done $0x0  }
0x3e: {  	[sflag:s1] =	ssyncadd.s32 $0xFFFFD800  }
0x3f: {  	_ =	swait.ge [sflag:s0], $0x50  }
0x40: {  	[sflag:s0] =	ssyncset.done $0x0  }
0x41: {  	[sflag:s0] =	ssyncadd.s32 $0xFFFFFFB0  }
0x42: {  	_ =	swait.ge [sflag:s0], $0x50  }
0x43: {  	[sflag:s0] =	ssyncset.done $0x0  }
0x44: {  	[sflag:s0] =	ssyncadd.s32 $0xFFFFFFB0  }
0x45: {  	_ =	swait.ge [sflag:s2], $0x2800  }
0x46: {  	p0 =	sne.s32 s21, $0x14;
	[sflag:s2] =	ssyncset.done $0x0  }
.Ltmp0:
0x47: {  	s25 =	rddreg [dreg:$0x4];
	[sflag:s2] =	ssyncadd.s32 $0xFFFFD800;
	(pc) =	sbr.rel @!p0 .LBB2_3-.Ltmp0, $4  }
0x48: {  	[tilespmem:s25], [sflag:$0x6] =	stream.linear.gather [hbm4b:s4+s3], $0x2800, $0x38;
	[tilespmem:$0x1DF00] =	vst v63  }
0x49: {  	v1 =	vld [tilespmem:$0x13D20]  }
0x4a: {  	s30 =	simm.s32 $0x14;
	s28 =	simm.s32 $0x0;
	v2 =	vld [tilespmem:$0x13D00]  }
0x4b: {  	s6 =	simm.s32 $0x1;
	s16 =	smov.u32 s31;
	s25 =	smov.u32 s31;
	v0 =	vld [tilespmem:$0x18F20]  }
.LBB2_2:
0x4c: {  	v3 =	vld [tilespmem:$0x13F00]  }
0x4d: {  	v4 =	vld [tilespmem:$0x18F10]  }
0x4e: {  	v5 =	vld [tilespmem:$0x13D10]  }
0x4f: {  	v6 =	vld [tilespmem:$0x13D40]  }
0x50: {  	v8 =	vld [tilespmem:$0x13D30]  }
0x51: {  	[tilespmem:$0x13E00] =	vst v2;
	v2 =	vld [tilespmem:$0x18F40]  }
0x52: {  	[tilespmem:$0x13E20] =	vst v1;
	v1 =	vld [tilespmem:$0x18F00]  }
0x53: {  	v7 =	vld [tilespmem:$0x18F50];
	[tilespmem:$0x13E10] =	vst v5  }
0x54: {  	v56 =	vld [tilespmem:$0x18F30];
	v0 =	vmul.f32 v0, v3;
	[tilespmem:$0x13E40] =	vst v6  }
0x55: {  	v4 =	vmul.f32 v4, v3;
	[tilespmem:$0x13E30] =	vst v8  }
0x56: {  	[tilespmem:$0x18F20] =	vst v0;
	v0 =	vmul.f32 v2, v3  }
0x57: {  	[tilespmem:$0x18F10] =	vst v4;
	v1 =	vmul.f32 v1, v3  }
0x58: {  	[tilespmem:$0x18F40] =	vst v0;
	v0 =	vmul.f32 v7, v3  }
0x59: {  	[tilespmem:$0x18F00] =	vst v1;
	v1 =	vmul.f32 v56, v3  }
0x5a: {  	p1 =	sge.u32 s29, s5;
	[tilespmem:$0x18F50] =	vst v0  }
0x5b: {  	s9 =	simm.s32 @p1 $0x6;
	[tilespmem:$0x18F30] =	vst v1  }
0x5c: {  	_ =	swait.ge @p1 [sflag:s9], $0x2800  }
0x5d: {  	s10 =	simm.s32 @!p1 $0x13C00;
	[sflag:s9] =	ssyncset.done @p1 $0x0  }
0x5e: {  	s11 =	sadd.s32 @!p1 s28, s20;
	[sflag:s9] =	ssyncadd.s32 @p1 $0xFFFFD800;
	s9 =	simm.s32 @!p1 $0x0  }
0x5f: {  	[tilespmem:s10], [sflag:$0x1] =	stream.linear.gather @!p1 [hbm4b:s11+s9], $0x50, $0x38;
	[tilespmem:$0x1DF00] =	vst v63  }
0x60: {  	s10 =	sadd.s32 @!p1 s28, s19;
	s11 =	simm.s32 @!p1 $0x13D00  }
0x61: {  	[tilespmem:s11], [sflag:$0x1] =	stream.linear.gather @!p1 [hbm4b:s10+s9], $0x50, $0x38;
	[tilespmem:$0x1DF00] =	vst v63  }
0x62: {  	s12 =	simm.s32 @!p1 $0x6;
	s10 =	sadd.s32 @!p1 $0xFFFFFB00, s16;
	s11 =	simm.s32 @!p1 $0x13F00  }
0x63: {  	[tilespmem:s11], [sflag:$0x3] =	stream.linear.gather @!p1 [hbm4b:s10+s9], $0x2800, $0x38;
	[tilespmem:$0x1DF00] =	vst v63  }
0x64: {  	_ =	swait.ge @!p1 [sflag:s12], $0x2800  }
0x65: {  	[sflag:s12] =	ssyncset.done @!p1 $0x0  }
0x66: {  	s10 =	simm.s32 @!p1 $0x1;
	[sflag:s12] =	ssyncadd.s32 @!p1 $0xFFFFD800  }
0x67: {  	_ =	swait.ge @!p1 [sflag:s10], $0x50  }
0x68: {  	[sflag:s10] =	ssyncset.done @!p1 $0x0  }
0x69: {  	[sflag:s10] =	ssyncadd.s32 @!p1 $0xFFFFFFB0  }
0x6a: {  	_ =	swait.ge @!p1 [sflag:s10], $0x50  }
0x6b: {  	[sflag:s10] =	ssyncset.done @!p1 $0x0  }
0x6c: {  	[sflag:s10] =	ssyncadd.s32 @!p1 $0xFFFFFFB0;
	s10 =	simm.s32 @!p1 $0x3  }
0x6d: {  	_ =	swait.ge @!p1 [sflag:s10], $0x2800  }
0x6e: {  	[sflag:s10] =	ssyncset.done @!p1 $0x0  }
0x6f: {  	[sflag:s10] =	ssyncadd.s32 @!p1 $0xFFFFD800;
	s10 =	simm.s32 @!p1 $0x18F00  }
0x70: {  	[tilespmem:s10], [sflag:$0x5] =	stream.linear.gather @!p1 [hbm4b:s4+s9], $0x2800, $0x38;
	[tilespmem:$0x1DF00] =	vst v63  }
0x71: {  	v0 =	vld [tilespmem:$0x16700]  }
0x72: {  	v1 =	vld [tilespmem:$0x1B700]  }
0x73: {  	v2 =	vld [tilespmem:$0x1B720]  }
0x74: {  	v59 =	vld [tilespmem:$0x13D80]  }
0x75: {  	v63 =	vld [tilespmem:$0x13DC0]  }
0x76: {  	v61 =	vld [tilespmem:$0x13D90]  }
0x77: {  	v62 =	vld [tilespmem:$0x13DB0]  }
0x78: {  	v3 =	vld [tilespmem:$0x1B730]  }
0x79: {  	v57 =	vld [tilespmem:$0x1B740];
	[tilespmem:$0x13E80] =	vst v59  }
0x7a: {  	v58 =	vld [tilespmem:$0x1B750];
	[tilespmem:$0x13EC0] =	vst v63  }
0x7b: {  	v60 =	vld [tilespmem:$0x1B710];
	v1 =	vmul.f32 v1, v0;
	[tilespmem:$0x13E90] =	vst v61  }
0x7c: {  	v2 =	vmul.f32 v2, v0;
	[tilespmem:$0x13EB0] =	vst v62  }
0x7d: {  	[tilespmem:$0x1B700] =	vst v1;
	v1 =	vmul.f32 v3, v0  }
0x7e: {  	v3 =	vld [tilespmem:$0x13DA0];
	[tilespmem:$0x1B720] =	vst v2;
	v2 =	vmul.f32 v57, v0  }
0x7f: {  	[tilespmem:$0x1B730] =	vst v1;
	v1 =	vmul.f32 v58, v0  }
0x80: {  	[tilespmem:$0x1B740] =	vst v2;
	v0 =	vmul.f32 v60, v0  }
0x81: {  	[tilespmem:$0x1B750] =	vst v1  }
0x82: {  	[tilespmem:$0x1B710] =	vst v0  }
0x83: {  	s11 =	simm.s32 @!p1 $0x13C80;
	s10 =	sadd.s32 @!p1 s28, s18;
	[tilespmem:$0x13EA0] =	vst v3  }
0x84: {  	[tilespmem:s11], [sflag:$0x2] =	stream.linear.gather @!p1 [hbm4b:s10+s9], $0x50, $0x38;
	[tilespmem:$0x1DF00] =	vst v63  }
0x85: {  	s8 =	smov.u32 s30;
	s10 =	sadd.s32 @!p1 s28, s17;
	s11 =	simm.s32 @!p1 $0x13D80  }
0x86: {  	[tilespmem:s11], [sflag:$0x2] =	stream.linear.gather @!p1 [hbm4b:s10+s9], $0x50, $0x38;
	[tilespmem:$0x1DF00] =	vst v63  }
0x87: {  	s28 =	smov.u32 s8;
	s8 =	simm.s32 @!p1 $0x16700  }
0x88: {  	[tilespmem:s8], [sflag:$0x4] =	stream.linear.gather @!p1 [hbm4b:s16+s9], $0x2800, $0x38;
	[tilespmem:$0x1DF00] =	vst v63  }
0x89: {  	_ =	swait.ge [sflag:s1], $0x2800  }
0x8a: {  	[sflag:s1] =	ssyncset.done $0x0  }
0x8b: {  	[sflag:s1] =	ssyncadd.s32 $0xFFFFD800  }
0x8c: {  	_ =	swait.ge [sflag:s0], $0x50  }
0x8d: {  	[sflag:s0] =	ssyncset.done $0x0  }
0x8e: {  	[sflag:s0] =	ssyncadd.s32 $0xFFFFFFB0  }
0x8f: {  	_ =	swait.ge [sflag:s0], $0x50  }
0x90: {  	[sflag:s0] =	ssyncset.done $0x0  }
0x91: {  	[sflag:s0] =	ssyncadd.s32 $0xFFFFFFB0  }
0x92: {  	s30 =	sadd.s32 $0x14, s30;
	_ =	swait.ge [sflag:s2], $0x2800  }
0x93: {  	p0 =	sne.s32 s21, s30;
	[sflag:s2] =	ssyncset.done $0x0  }
.Ltmp1:
0x94: {  	s12 =	rddreg [dreg:$0x4];
	[sflag:s2] =	ssyncadd.s32 $0xFFFFD800;
	(pc) =	sbr.rel @p0 .LBB2_2-.Ltmp1, $4  }
0x95: {  	[tilespmem:s12], [sflag:$0x6] =	stream.linear.gather [hbm4b:s4+s3], $0x2800, $0x38;
	[tilespmem:$0x1DF00] =	vst v63  }
0x96: {  	v1 =	vld [tilespmem:$0x13D20]  }
0x97: {  	s25 =	sadd.s32 $0xA00, s25;
	s6 =	sadd.s32 $0x1, s6;
	v2 =	vld [tilespmem:$0x13D00]  }
0x98: {  	s29 =	smov.u32 s6;
	s16 =	smov.u32 s25;
	v0 =	vld [tilespmem:$0x18F20]  }
.LBB2_3:
0x99: {  	v3 =	vld [tilespmem:$0x13F00]  }
0x9a: {  	v4 =	vld [tilespmem:$0x18F10]  }
0x9b: {  	v5 =	vld [tilespmem:$0x13D10]  }
0x9c: {  	v42 =	vld [tilespmem:$0x13D40]  }
0x9d: {  	v8 =	vld [tilespmem:$0x13D30]  }
0x9e: {  	v7 =	vld [tilespmem:$0x18F40];
	[tilespmem:$0x13E20] =	vst v1  }
0x9f: {  	v6 =	vld [tilespmem:$0x18F00];
	[tilespmem:$0x13E00] =	vst v2  }
0xa0: {  	v43 =	vld [tilespmem:$0x18F50];
	[tilespmem:$0x13E10] =	vst v5  }
0xa1: {  	v44 =	vld [tilespmem:$0x18F30];
	v0 =	vmul.f32 v0, v3;
	[tilespmem:$0x13E40] =	vst v42  }
0xa2: {  	v4 =	vmul.f32 v4, v3;
	[tilespmem:$0x13E30] =	vst v8  }
0xa3: {  	v45 =	vmul.f32 v7, v3;
	[tilespmem:$0x18F20] =	vst v0  }
0xa4: {  	v46 =	vmul.f32 v6, v3;
	[tilespmem:$0x18F10] =	vst v4  }
0xa5: {  	v47 =	vmul.f32 v43, v3;
	[tilespmem:$0x18F40] =	vst v45  }
0xa6: {  	v48 =	vmul.f32 v44, v3;
	[tilespmem:$0x18F00] =	vst v46  }
0xa7: {  	p0 =	sge.u32 s29, s5;
	[tilespmem:$0x18F50] =	vst v47  }
0xa8: {  	s6 =	simm.s32 @p0 $0x6;
	[tilespmem:$0x18F30] =	vst v48  }
0xa9: {  	_ =	swait.ge @p0 [sflag:s6], $0x2800  }
0xaa: {  	s8 =	simm.s32 @!p0 $0x13C00;
	[sflag:s6] =	ssyncset.done @p0 $0x0  }
0xab: {  	s9 =	simm.s32 @!p0 $0x0;
	[sflag:s6] =	ssyncadd.s32 @p0 $0xFFFFD800;
	s6 =	sadd.s32 @!p0 s28, s20  }
0xac: {  	[tilespmem:s8], [sflag:$0x1] =	stream.linear.gather @!p0 [hbm4b:s6+s9], $0x50, $0x38;
	[tilespmem:$0x1DF00] =	vst v63  }
0xad: {  	s6 =	sadd.s32 @!p0 s28, s19;
	s8 =	simm.s32 @!p0 $0x13D00  }
0xae: {  	[tilespmem:s8], [sflag:$0x1] =	stream.linear.gather @!p0 [hbm4b:s6+s9], $0x50, $0x38;
	[tilespmem:$0x1DF00] =	vst v63  }
0xaf: {  	s10 =	simm.s32 @!p0 $0x6;
	s6 =	sadd.s32 @!p0 $0xFFFFFB00, s16;
	s8 =	simm.s32 @!p0 $0x13F00  }
0xb0: {  	[tilespmem:s8], [sflag:$0x3] =	stream.linear.gather @!p0 [hbm4b:s6+s9], $0x2800, $0x38;
	[tilespmem:$0x1DF00] =	vst v63  }
0xb1: {  	_ =	swait.ge @!p0 [sflag:s10], $0x2800  }
0xb2: {  	[sflag:s10] =	ssyncset.done @!p0 $0x0  }
0xb3: {  	s6 =	simm.s32 @!p0 $0x1;
	[sflag:s10] =	ssyncadd.s32 @!p0 $0xFFFFD800  }
0xb4: {  	_ =	swait.ge @!p0 [sflag:s6], $0x50  }
0xb5: {  	[sflag:s6] =	ssyncset.done @!p0 $0x0  }
0xb6: {  	[sflag:s6] =	ssyncadd.s32 @!p0 $0xFFFFFFB0  }
0xb7: {  	_ =	swait.ge @!p0 [sflag:s6], $0x50  }
0xb8: {  	[sflag:s6] =	ssyncset.done @!p0 $0x0  }
0xb9: {  	[sflag:s6] =	ssyncadd.s32 @!p0 $0xFFFFFFB0;
	s6 =	simm.s32 @!p0 $0x3  }
0xba: {  	_ =	swait.ge @!p0 [sflag:s6], $0x2800  }
0xbb: {  	[sflag:s6] =	ssyncset.done @!p0 $0x0  }
0xbc: {  	[sflag:s6] =	ssyncadd.s32 @!p0 $0xFFFFD800;
	s6 =	simm.s32 @!p0 $0x18F00  }
0xbd: {  	[tilespmem:s6], [sflag:$0x5] =	stream.linear.gather @!p0 [hbm4b:s4+s9], $0x2800, $0x38;
	[tilespmem:$0x1DF00] =	vst v63  }
0xbe: {  	v49 =	vld [tilespmem:$0x16700]  }
0xbf: {  	v50 =	vld [tilespmem:$0x1B700]  }
0xc0: {  	v51 =	vld [tilespmem:$0x1B720]  }
0xc1: {  	v56 =	vld [tilespmem:$0x13D80]  }
0xc2: {  	v59 =	vld [tilespmem:$0x13DA0]  }
0xc3: {  	v61 =	vld [tilespmem:$0x13DC0]  }
0xc4: {  	v62 =	vld [tilespmem:$0x13D90]  }
0xc5: {  	v63 =	vld [tilespmem:$0x13DB0]  }
0xc6: {  	v52 =	vld [tilespmem:$0x1B730];
	[tilespmem:$0x13E80] =	vst v56  }
0xc7: {  	v53 =	vld [tilespmem:$0x1B740];
	[tilespmem:$0x13EA0] =	vst v59  }
0xc8: {  	v54 =	vld [tilespmem:$0x1B750];
	[tilespmem:$0x13EC0] =	vst v61  }
0xc9: {  	v55 =	vld [tilespmem:$0x1B710];
	v1 =	vmul.f32 v50, v49;
	[tilespmem:$0x13E90] =	vst v62  }
0xca: {  	v2 =	vmul.f32 v51, v49;
	[tilespmem:$0x13EB0] =	vst v63  }
0xcb: {  	v57 =	vmul.f32 v52, v49;
	[tilespmem:$0x1B700] =	vst v1  }
0xcc: {  	v58 =	vmul.f32 v53, v49;
	[tilespmem:$0x1B720] =	vst v2  }
0xcd: {  	v60 =	vmul.f32 v54, v49;
	[tilespmem:$0x1B730] =	vst v57  }
0xce: {  	v0 =	vmul.f32 v55, v49;
	[tilespmem:$0x1B740] =	vst v58  }
0xcf: {  	[tilespmem:$0x1B750] =	vst v60  }
0xd0: {  	s8 =	simm.s32 @!p0 $0x13C80;
	s6 =	sadd.s32 @!p0 s28, s18;
	[tilespmem:$0x1B710] =	vst v0  }
0xd1: {  	[tilespmem:s8], [sflag:$0x2] =	stream.linear.gather @!p0 [hbm4b:s6+s9], $0x50, $0x38;
	[tilespmem:$0x1DF00] =	vst v63  }
0xd2: {  	s6 =	sadd.s32 @!p0 s28, s17;
	s8 =	simm.s32 @!p0 $0x13D80  }
0xd3: {  	[tilespmem:s8], [sflag:$0x2] =	stream.linear.gather @!p0 [hbm4b:s6+s9], $0x50, $0x38;
	[tilespmem:$0x1DF00] =	vst v63  }
0xd4: {  	s23 =	sadd.s32 $0x1, s23;
	s6 =	simm.s32 @!p0 $0x16700  }
0xd5: {  	[tilespmem:s6], [sflag:$0x4] =	stream.linear.gather @!p0 [hbm4b:s16+s9], $0x2800, $0x38;
	[tilespmem:$0x1DF00] =	vst v63  }
0xd6: {  	p0 =	sne.s32 s23, s15  }
.Ltmp2:
0xd7: {  	[bflag:$0x0] =	sbarrier.arrive $0xFFFF;
	(pc) =	sbr.rel @p0 .LBB2_1-.Ltmp2, $4  }
0xd8: {  	[hbm:s14], [sflag:s7] =	dma.local [spmem:s24], $0x2780  }
0xd9: {  	_ =	swait.ge [sflag:s22], $0x2780  }
0xda: {  	[sflag:s22] =	ssyncset.done $0x0  }
0xdb: {  	[sflag:s22] =	ssyncadd.s32 $0xFFFFD880  }
0xdc: {  	_ =	sfence.sel $0x180000  }
0xdd: {  	[bflag:$0x0] =	sbarrier.arrive $0xFFFF  }
0xde: {  	_ =	strace $0x90000047  }
0xdf: {  	s0 =	stileid.u32;
	[bflag:$0x2] =	sbarrier.arrive $0xFFFF  }
0xe0: {  	p0 =	sne.s32 s0, $0x0;
	s0 =	rddreg [dreg:$0x3]  }
0xe1: {  	s0 =	sadd.s32 @!p0 $0x100000, s0  }
0xe2: {  	[sflag:s0] =	ssyncadd.tile.s32 @!p0 $0x1;
	_ =	shalt  }
.Lfunc_end2:
_tile_overlayer_lowered:
.L_overlay_start_2:
0xe3: {  	(tag) =	ssettag $0x2  }
0xe4: {  	s0 =	rddreg [dreg:$0x0];
	s2 =	stileid.u32  }
0xe5: {  	s1 =	rddreg [dreg:$0x1];
	p0 =	sne.s32 s2, $0x0  }
0xe6: {  	s3 =	rddreg [dreg:$0x2];
	[bflag:$0x3] =	sbarrier.arrive $0xFFFF;
	s2 =	simm.s32 @!p0 $0x1C07  }
0xe7: {  	[timem:s3], [sflag:s2] =	dma.local @!p0 [hbm:s0], s1  }
0xe8: {  	s0 =	simm.s32 @!p0 $0x7  }
0xe9: {  	_ =	swait.ge @!p0 [sflag:s0], s1  }
0xea: {  	s1 =	ssub.s32 @!p0 $0x0, s1;
	[sflag:s0] =	ssyncset.done @!p0 $0x0  }
0xeb: {  	[sflag:s0] =	ssyncadd.s32 @!p0 s1  }
0xec: {  	[bflag:$0x3] =	sbarrier.arrive $0xFFFF  }
0xed: {  	_ =	shalt  }

</sc_bundles>
